<compile_context>
chip_gen: v7x
topology: tpu7x:2x2x1
jax: 0.10.2.dev20260603
libtpu: 0.0.44.dev20260713+nightly
codegen_flags: <defaults>
</compile_context>

<pallas_src>
import jax
import jax.numpy as jnp
from jax import lax
from jax.experimental import pallas as pl
from jax.experimental.pallas import tpu as pltpu
from jax.experimental.pallas import tpu_sc as plsc

N_ENT = 50000
N_REL = 16
N_RULES = 64
N_EDGE = 1600000
BATCH = 32
TEMP = 100.0

_RULES = [((k % N_REL), ((3 * k + 1) % N_REL, (5 * k + 2) % N_REL))
          for k in range(N_RULES)]
_MATCH = [k for k, (rh, _) in enumerate(_RULES) if rh == 0]
_BODIES = {body for k, (rh, body) in enumerate(_RULES) if rh == 0}
assert len(_BODIES) == 1, "kernel assumes all matching rules share one body"
R1, R2 = next(iter(_BODIES))

NC = 2
NS = 16
NW = NC * NS
LANES = 16

NROWS = 50048
RPS = NROWS // NS
ZROW = 50000

EPW = N_EDGE // NW
CHUNK = 400
NCHUNK = EPW // CHUNK
VPC = CHUNK // LANES


def _hop1_body(src_hbm, dst_hbm, typ_hbm, hsp_hbm, zeros_hbm, out_hbm,
               sbuf, dbuf, tbuf, hbuf, rows, shared):
    c = lax.axis_index("c")
    s = lax.axis_index("s")
    wid = s * NC + c
    base = wid * EPW

    z0 = s * RPS
    pltpu.sync_copy(zeros_hbm.at[pl.ds(z0, RPS)], shared.at[pl.ds(z0, RPS)])
    pltpu.sync_copy(hsp_hbm, hbuf)
    plsc.subcore_barrier()

    h_lo = hbuf[pl.ds(0, LANES)]
    h_hi = hbuf[pl.ds(LANES, LANES)]

    def chunk_body(g, carry):
        off = base + g * CHUNK
        pltpu.sync_copy(src_hbm.at[pl.ds(off, CHUNK)], sbuf)
        pltpu.sync_copy(dst_hbm.at[pl.ds(off, CHUNK)], dbuf)
        pltpu.sync_copy(typ_hbm.at[pl.ds(off, CHUNK)], tbuf)

        def vec_body(v, carry2):
            d16 = dbuf[pl.ds(v * LANES, LANES)]
            for e in range(LANES):
                idx_e = jnp.full((LANES,), 0, jnp.int32) + (v * LANES + e)
                se = plsc.load_gather(sbuf, [idx_e])
                te = plsc.load_gather(tbuf, [idx_e])
                ok = te == R1
                lo = jnp.where(ok & (h_lo == se), 1.0, 0.0).astype(jnp.float32)
                hi = jnp.where(ok & (h_hi == se), 1.0, 0.0).astype(jnp.float32)
                rows[e, pl.ds(0, LANES)] = lo
                rows[e, pl.ds(LANES, LANES)] = hi
            pltpu.sync_copy(rows, shared.at[d16], add=True)
            return carry2

        return lax.fori_loop(0, VPC, vec_body, carry)

    lax.fori_loop(0, NCHUNK, chunk_body, 0)
    plsc.subcore_barrier()
    pltpu.sync_copy(shared.at[pl.ds(z0, RPS)],
                    out_hbm.at[pl.ds(c * NROWS + z0, RPS)])


def _hop2_body(src_hbm, dst_hbm, typ_hbm, x1_hbm, zeros_hbm, out_hbm,
               sbuf, dbuf, tbuf, gidx, rows, sem, shared):
    c = lax.axis_index("c")
    s = lax.axis_index("s")
    wid = s * NC + c
    base = wid * EPW

    z0 = s * RPS
    pltpu.sync_copy(zeros_hbm.at[pl.ds(z0, RPS)], shared.at[pl.ds(z0, RPS)])
    plsc.subcore_barrier()

    def chunk_body(g, carry):
        off = base + g * CHUNK
        pltpu.sync_copy(src_hbm.at[pl.ds(off, CHUNK)], sbuf)
        pltpu.sync_copy(dst_hbm.at[pl.ds(off, CHUNK)], dbuf)
        pltpu.sync_copy(typ_hbm.at[pl.ds(off, CHUNK)], tbuf)

        def vec_body(v, carry2):
            s16 = sbuf[pl.ds(v * LANES, LANES)]
            t16 = tbuf[pl.ds(v * LANES, LANES)]
            gidx[pl.ds(v * LANES, LANES)] = jnp.where(t16 == R2, s16, ZROW)
            return carry2

        lax.fori_loop(0, VPC, vec_body, 0)
        pltpu.async_copy(x1_hbm.at[gidx], rows, sem).wait()
        pltpu.sync_copy(rows, shared.at[dbuf], add=True)
        return carry

    lax.fori_loop(0, NCHUNK, chunk_body, 0)
    plsc.subcore_barrier()
    pltpu.sync_copy(shared.at[pl.ds(z0, RPS)],
                    out_hbm.at[pl.ds(c * NROWS + z0, RPS)])


_mesh = plsc.VectorSubcoreMesh(core_axis_name="c", subcore_axis_name="s")

_params = pltpu.CompilerParams(needs_layout_passes=False,
                               use_tc_tiling_on_sc=False)

_hop1 = pl.kernel(
    _hop1_body, mesh=_mesh, compiler_params=_params,
    out_type=jax.ShapeDtypeStruct((NC * NROWS, BATCH), jnp.float32),
    scratch_types=[
        pltpu.VMEM((CHUNK,), jnp.int32),
        pltpu.VMEM((CHUNK,), jnp.int32),
        pltpu.VMEM((CHUNK,), jnp.int32),
        pltpu.VMEM((BATCH,), jnp.int32),
        pltpu.VMEM((LANES, BATCH), jnp.float32),
        pltpu.VMEM_SHARED((NROWS, BATCH), jnp.float32),
    ],
)

_hop2 = pl.kernel(
    _hop2_body, mesh=_mesh, compiler_params=_params,
    out_type=jax.ShapeDtypeStruct((NC * NROWS, BATCH), jnp.float32),
    scratch_types=[
        pltpu.VMEM((CHUNK,), jnp.int32),
        pltpu.VMEM((CHUNK,), jnp.int32),
        pltpu.VMEM((CHUNK,), jnp.int32),
        pltpu.VMEM((CHUNK,), jnp.int32),
        pltpu.VMEM((CHUNK, BATCH), jnp.float32),
        pltpu.SemaphoreType.DMA,
        pltpu.VMEM_SHARED((NROWS, BATCH), jnp.float32),
    ],
)


def kernel(all_h, all_r, edges_to_remove, edge_index, edge_type, rule_weights):
    del edges_to_remove
    src = edge_index[0].astype(jnp.int32)
    dst = edge_index[1].astype(jnp.int32)
    typ = edge_type.astype(jnp.int32)
    hsp = all_h.astype(jnp.int32)
    zeros = jnp.zeros((NROWS, BATCH), jnp.float32)

    x1p = _hop1(src, dst, typ, hsp, zeros)
    x1 = x1p[:NROWS] + x1p[NROWS:]
    x2p = _hop2(src, dst, typ, x1, zeros)
    x2 = (x2p[:NROWS] + x2p[NROWS:])[:N_ENT]

    w = sum(rule_weights[k] for k in _MATCH)
    ind = (all_r[0] == 0).astype(jnp.float32)
    score = (x2 * (w * ind * (1.0 / TEMP))).T
    mask_b = ((x2 != 0.0) & (ind != 0.0)).T
    score = jnp.where(mask_b, score, -jnp.inf)
    return score, mask_b

# --- scband reference (transcript-rebuilt; emitter-appended) ---
"""Pipeline reference for scband-reasoning-predictor-6176162972132 (READ-ONLY COPY).

The authoritative reference and input builder live on the scoring server;
editing this copy changes nothing except your own understanding.
"""

import jax, jax.numpy as jnp
import numpy as np

NUM_ENTITIES = 50000
NUM_RELATIONS = 16
NUM_RULES = 64
NUM_EDGES = 1600000
BATCH = 32
TEMPERATURE = 100.0
# Deterministic rule set: (r_head, r_body). 4 rules match query relation 0.
RULES = [(k % NUM_RELATIONS, [(3 * k + 1) % NUM_RELATIONS, (5 * k + 2) % NUM_RELATIONS]) for k in range(NUM_RULES)]


def setup_inputs(seed: int = 0) -> dict:
    key = jax.random.key(seed)
    k1, k2, k3, k4 = jax.random.split(key, 4)
    all_h = jax.random.randint(k1, (BATCH,), 0, NUM_ENTITIES)
    all_r = jnp.zeros((BATCH,), dtype=jnp.int32)  # all queries share relation 0
    edges_to_remove = jnp.zeros((BATCH,), dtype=jnp.int32)  # unused (remove_edges=False)
    edge_index = jax.random.randint(k2, (2, NUM_EDGES), 0, NUM_ENTITIES)
    edge_type = jax.random.randint(k3, (NUM_EDGES,), 0, NUM_RELATIONS)
    rule_weights = jax.random.normal(k4, (NUM_RULES,), dtype=jnp.float32) * 0.1  # learned parameter
    return {"all_h": all_h, "all_r": all_r, "edges_to_remove": edges_to_remove,
            "edge_index": edge_index, "edge_type": edge_type, "rule_weights": rule_weights}


def _propagate(x, r, src, dst, edge_type):
    # One relational message-passing hop: gather from src, mask by relation, scatter-add to dst.
    vals = jnp.take(x, src, axis=0) * (edge_type == r).astype(x.dtype)[:, None]
    return jax.ops.segment_sum(vals, dst, num_segments=NUM_ENTITIES)


def _grounding(all_h, body, src, dst, edge_type):
    # kg.grounding: start from one-hot head entities, walk the rule body relations.
    batch = all_h.shape[0]
    x = jnp.zeros((NUM_ENTITIES, batch), jnp.float32).at[all_h, jnp.arange(batch)].set(1.0)
    for r in body:
        x = _propagate(x, r, src, dst, edge_type)
    return x


def reference(all_h, all_r, edges_to_remove, edge_index, edge_type, rule_weights):
    query_r = 0
    batch = all_r.shape[0]
    src = edge_index[0]
    dst = edge_index[1]
    score = jnp.zeros((NUM_ENTITIES, batch), jnp.float32)
    mask = jnp.zeros((NUM_ENTITIES, batch), jnp.float32)
    for k, (r_head, r_body) in enumerate(RULES):
        if r_head != query_r:
            continue
        indicator = (all_r[0] == r_head).astype(jnp.float32)
        x = _grounding(all_h, r_body, src, dst, edge_type)
        score = score + x * rule_weights[k] * indicator
        mask = mask + x * indicator
    score = (score / TEMPERATURE).T
    mask_b = (mask != 0).T
    score = jnp.where(mask_b, score, -jnp.inf)
    return score, mask_b

if __name__ == "__main__":
    import jax
    _d = setup_inputs()
    print(jax.jit(kernel)(*tuple(_d.values())))

</pallas_src>

<mosaic_0001>
#map = affine_map<(d0, d1) -> (0)>
#map1 = affine_map<(d0, d1) -> (0, 0)>
module attributes {stable_mosaic.version = 14 : i64} {
  func.func @_hop1_body(%arg0: i32, %arg1: i32, %arg2: memref<1600000xi32, #tpu.memory_space<hbm>>, %arg3: memref<1600000xi32, #tpu.memory_space<hbm>>, %arg4: memref<1600000xi32, #tpu.memory_space<hbm>>, %arg5: memref<32xi32, #tpu.memory_space<hbm>>, %arg6: memref<50048x32xf32, #tpu.memory_space<hbm>>, %arg7: memref<100096x32xf32, #tpu.memory_space<hbm>>, %arg8: memref<400xi32, #tpu.memory_space<vmem>>, %arg9: memref<400xi32, #tpu.memory_space<vmem>>, %arg10: memref<400xi32, #tpu.memory_space<vmem>>, %arg11: memref<32xi32, #tpu.memory_space<vmem>>, %arg12: memref<16x32xf32, #tpu.memory_space<vmem>>, %arg13: memref<50048x32xf32, #tpu.memory_space<vmem_shared>>) attributes {dimension_semantics = [#tpu.dimension_semantics<core_parallel>, #tpu.dimension_semantics<subcore_parallel>], iteration_bounds = array<i64: 2, 16>, scalar_prefetch = 0 : i64, scratch_operands = 6 : i64, tpu.core_type = #tpu.core_type<sc_vector_subcore>, window_params = [{transform_indices = #map}, {transform_indices = #map}, {transform_indices = #map}, {transform_indices = #map}, {transform_indices = #map1}, {transform_indices = #map1}]} {
    %mul3A = arith.constant 2 : i32
    %mul3A_0 = arith.muli %arg1, %mul3A : i32
    %add3A = arith.addi %mul3A_0, %arg0 : i32
    %mul3A_1 = arith.constant 50000 : i32
    %mul3A_2 = arith.muli %add3A, %mul3A_1 : i32
    %mul3A_3 = arith.constant 3128 : i32
    %mul3A_4 = arith.muli %arg1, %mul3A_3 : i32
    "tpu.region"() ({
      %run_scoped3A = tpu.sem_alloc : memref<!tpu.dma_semaphore, #tpu.memory_space<semaphore_mem>>
      %dma_start3A = arith.constant 0 : i32
      %dma_start3A_17 = tpu.memref_slice %arg13[%mul3A_4, %dma_start3A] : memref<50048x32xf32, #tpu.memory_space<vmem_shared>> -> memref<3128x32xf32, #tpu.memory_space<vmem_shared>>
      %dma_start3A_18 = arith.constant 0 : i32
      %dma_start3A_19 = tpu.memref_slice %arg6[%mul3A_4, %dma_start3A_18] : memref<50048x32xf32, #tpu.memory_space<hbm>> -> memref<3128x32xf32, #tpu.memory_space<hbm>>
      tpu.enqueue_dma source(%dma_start3A_19 : memref<3128x32xf32, #tpu.memory_space<hbm>>) target(%dma_start3A_17 : memref<3128x32xf32, #tpu.memory_space<vmem_shared>>) target_semaphore(%run_scoped3A : memref<!tpu.dma_semaphore, #tpu.memory_space<semaphore_mem>>)
      %dma_wait3A = arith.constant 0 : i32
      %dma_wait3A_20 = tpu.memref_slice %arg13[%mul3A_4, %dma_wait3A] : memref<50048x32xf32, #tpu.memory_space<vmem_shared>> -> memref<3128x32xf32, #tpu.memory_space<vmem_shared>>
      %dma_wait3A_21 = arith.constant 0 : i32
      %dma_wait3A_22 = tpu.memref_slice %arg6[%mul3A_4, %dma_wait3A_21] : memref<50048x32xf32, #tpu.memory_space<hbm>> -> memref<3128x32xf32, #tpu.memory_space<hbm>>
      tpu.wait_dma2 semaphore(%run_scoped3A : memref<!tpu.dma_semaphore, #tpu.memory_space<semaphore_mem>>) src(%dma_wait3A_22 : memref<3128x32xf32, #tpu.memory_space<hbm>>) dst(%dma_wait3A_20 : memref<3128x32xf32, #tpu.memory_space<vmem_shared>>)
      tpu.yield
    }) : () -> ()
    "tpu.region"() ({
      %run_scoped3A = tpu.sem_alloc : memref<!tpu.dma_semaphore, #tpu.memory_space<semaphore_mem>>
      tpu.enqueue_dma source(%arg5 : memref<32xi32, #tpu.memory_space<hbm>>) target(%arg11 : memref<32xi32, #tpu.memory_space<vmem>>) target_semaphore(%run_scoped3A : memref<!tpu.dma_semaphore, #tpu.memory_space<semaphore_mem>>)
      tpu.wait_dma2 semaphore(%run_scoped3A : memref<!tpu.dma_semaphore, #tpu.memory_space<semaphore_mem>>) src(%arg5 : memref<32xi32, #tpu.memory_space<hbm>>) dst(%arg11 : memref<32xi32, #tpu.memory_space<vmem>>)
      tpu.yield
    }) : () -> ()
    %barrier3A = arith.constant 0 : index
    tpu.barrier barrier_id(%barrier3A)
    %get3A = arith.constant 0 : index
    %get3A_5 = tpu.vector_load %arg11[%get3A] {strides = array<i32>} : memref<32xi32, #tpu.memory_space<vmem>>, vector<16xi32>,
    %get3A_6 = arith.constant 16 : index
    %get3A_7 = tpu.vector_load %arg11[%get3A_6] {strides = array<i32>} : memref<32xi32, #tpu.memory_space<vmem>>, vector<16xi32>,
    %scan3A = arith.constant 0 : i32
    %scan3A_8 = arith.constant 0 : i32
    %scan3A_9 = arith.constant 125 : i32
    %scan3A_10 = arith.addi %scan3A_8, %scan3A_9 : i32
    %scan3A_11 = arith.constant 1 : i32
    scf.for %scan3A_17 = %scan3A_8 to %scan3A_10 step %scan3A_11  : i32 {
      %mul3A_18 = arith.constant 400 : i32
      %mul3A_19 = arith.muli %scan3A_17, %mul3A_18 : i32
      %add3A_20 = arith.addi %mul3A_2, %mul3A_19 : i32
      "tpu.region"() ({
        %run_scoped3A = tpu.sem_alloc : memref<!tpu.dma_semaphore, #tpu.memory_space<semaphore_mem>>
        %dma_start3A = tpu.memref_slice %arg2[%add3A_20] : memref<1600000xi32, #tpu.memory_space<hbm>> -> memref<400xi32, #tpu.memory_space<hbm>>
        %dma_start3A_26 = tpu.memref_slice %arg2[%add3A_20] : memref<1600000xi32, #tpu.memory_space<hbm>> -> memref<400xi32, #tpu.memory_space<hbm>>
        tpu.enqueue_dma source(%dma_start3A_26 : memref<400xi32, #tpu.memory_space<hbm>>) target(%arg8 : memref<400xi32, #tpu.memory_space<vmem>>) target_semaphore(%run_scoped3A : memref<!tpu.dma_semaphore, #tpu.memory_space<semaphore_mem>>)
        %dma_wait3A = tpu.memref_slice %arg2[%add3A_20] : memref<1600000xi32, #tpu.memory_space<hbm>> -> memref<400xi32, #tpu.memory_space<hbm>>
        %dma_wait3A_27 = tpu.memref_slice %arg2[%add3A_20] : memref<1600000xi32, #tpu.memory_space<hbm>> -> memref<400xi32, #tpu.memory_space<hbm>>
        tpu.wait_dma2 semaphore(%run_scoped3A : memref<!tpu.dma_semaphore, #tpu.memory_space<semaphore_mem>>) src(%dma_wait3A_27 : memref<400xi32, #tpu.memory_space<hbm>>) dst(%arg8 : memref<400xi32, #tpu.memory_space<vmem>>)
        tpu.yield
      }) : () -> ()
      "tpu.region"() ({
        %run_scoped3A = tpu.sem_alloc : memref<!tpu.dma_semaphore, #tpu.memory_space<semaphore_mem>>
        %dma_start3A = tpu.memref_slice %arg3[%add3A_20] : memref<1600000xi32, #tpu.memory_space<hbm>> -> memref<400xi32, #tpu.memory_space<hbm>>
        %dma_start3A_26 = tpu.memref_slice %arg3[%add3A_20] : memref<1600000xi32, #tpu.memory_space<hbm>> -> memref<400xi32, #tpu.memory_space<hbm>>
        tpu.enqueue_dma source(%dma_start3A_26 : memref<400xi32, #tpu.memory_space<hbm>>) target(%arg9 : memref<400xi32, #tpu.memory_space<vmem>>) target_semaphore(%run_scoped3A : memref<!tpu.dma_semaphore, #tpu.memory_space<semaphore_mem>>)
        %dma_wait3A = tpu.memref_slice %arg3[%add3A_20] : memref<1600000xi32, #tpu.memory_space<hbm>> -> memref<400xi32, #tpu.memory_space<hbm>>
        %dma_wait3A_27 = tpu.memref_slice %arg3[%add3A_20] : memref<1600000xi32, #tpu.memory_space<hbm>> -> memref<400xi32, #tpu.memory_space<hbm>>
        tpu.wait_dma2 semaphore(%run_scoped3A : memref<!tpu.dma_semaphore, #tpu.memory_space<semaphore_mem>>) src(%dma_wait3A_27 : memref<400xi32, #tpu.memory_space<hbm>>) dst(%arg9 : memref<400xi32, #tpu.memory_space<vmem>>)
        tpu.yield
      }) : () -> ()
      "tpu.region"() ({
        %run_scoped3A = tpu.sem_alloc : memref<!tpu.dma_semaphore, #tpu.memory_space<semaphore_mem>>
        %dma_start3A = tpu.memref_slice %arg4[%add3A_20] : memref<1600000xi32, #tpu.memory_space<hbm>> -> memref<400xi32, #tpu.memory_space<hbm>>
        %dma_start3A_26 = tpu.memref_slice %arg4[%add3A_20] : memref<1600000xi32, #tpu.memory_space<hbm>> -> memref<400xi32, #tpu.memory_space<hbm>>
        tpu.enqueue_dma source(%dma_start3A_26 : memref<400xi32, #tpu.memory_space<hbm>>) target(%arg10 : memref<400xi32, #tpu.memory_space<vmem>>) target_semaphore(%run_scoped3A : memref<!tpu.dma_semaphore, #tpu.memory_space<semaphore_mem>>)
        %dma_wait3A = tpu.memref_slice %arg4[%add3A_20] : memref<1600000xi32, #tpu.memory_space<hbm>> -> memref<400xi32, #tpu.memory_space<hbm>>
        %dma_wait3A_27 = tpu.memref_slice %arg4[%add3A_20] : memref<1600000xi32, #tpu.memory_space<hbm>> -> memref<400xi32, #tpu.memory_space<hbm>>
        tpu.wait_dma2 semaphore(%run_scoped3A : memref<!tpu.dma_semaphore, #tpu.memory_space<semaphore_mem>>) src(%dma_wait3A_27 : memref<400xi32, #tpu.memory_space<hbm>>) dst(%arg10 : memref<400xi32, #tpu.memory_space<vmem>>)
        tpu.yield
      }) : () -> ()
      %scan3A_21 = arith.constant 0 : i32
      %scan3A_22 = arith.constant 25 : i32
      %scan3A_23 = arith.addi %scan3A_21, %scan3A_22 : i32
      %scan3A_24 = arith.constant 1 : i32
      scf.for %scan3A_26 = %scan3A_21 to %scan3A_23 step %scan3A_24  : i32 {
        %mul3A_27 = arith.constant 16 : i32
        %mul3A_28 = arith.muli %scan3A_26, %mul3A_27 : i32
        %get3A_29 = arith.index_cast %mul3A_28 : i32 to index
        %get3A_30 = tpu.vector_load %arg9[%get3A_29] {strides = array<i32>} : memref<400xi32, #tpu.memory_space<vmem>>, vector<16xi32>,
        %broadcast_in_dim3A = arith.constant 0 : i32
        %broadcast_in_dim3A_31 = vector.broadcast %broadcast_in_dim3A : i32 to vector<16xi32>
        %mul3A_32 = arith.constant 16 : i32
        %mul3A_33 = arith.muli %scan3A_26, %mul3A_32 : i32
        %add3A_34 = arith.constant 0 : i32
        %add3A_35 = arith.addi %mul3A_33, %add3A_34 : i32
        %add3A_36 = vector.broadcast %add3A_35 : i32 to vector<16xi32>
        %add3A_37 = arith.addi %broadcast_in_dim3A_31, %add3A_36 : vector<16xi32>
        %gather3A = tpu.vector_load_idx %arg8[%add3A_37] : memref<400xi32, #tpu.memory_space<vmem>>[vector<16xi32>], vector<16xi32>,
        %gather3A_38 = tpu.vector_load_idx %arg10[%add3A_37] : memref<400xi32, #tpu.memory_space<vmem>>[vector<16xi32>], vector<16xi32>,
        %eq3A = arith.constant 1 : i32
        %eq3A_39 = vector.broadcast %eq3A : i32 to vector<16xi32>
        %eq3A_40 = arith.cmpi eq, %gather3A_38, %eq3A_39 : vector<16xi32>
        %eq3A_41 = arith.cmpi eq, %get3A_5, %gather3A : vector<16xi32>
        %and3A = arith.andi %eq3A_40, %eq3A_41 : vector<16xi1>
        %jit3A = arith.constant 1.000000e+00 : f32
        %jit3A_42 = arith.constant 0.000000e+00 : f32
        %broadcast_in_dim3A_43 = vector.broadcast %jit3A : f32 to vector<16xf32>
        %broadcast_in_dim3A_44 = vector.broadcast %jit3A_42 : f32 to vector<16xf32>
        %select_n3A = arith.select %and3A, %broadcast_in_dim3A_43, %broadcast_in_dim3A_44 : vector<16xi1>, vector<16xf32>
        %eq3A_45 = arith.cmpi eq, %get3A_7, %gather3A : vector<16xi32>
        %and3A_46 = arith.andi %eq3A_40, %eq3A_45 : vector<16xi1>
        %jit3A_47 = arith.constant 1.000000e+00 : f32
        %jit3A_48 = arith.constant 0.000000e+00 : f32
        %broadcast_in_dim3A_49 = vector.broadcast %jit3A_47 : f32 to vector<16xf32>
        %broadcast_in_dim3A_50 = vector.broadcast %jit3A_48 : f32 to vector<16xf32>
        %select_n3A_51 = arith.select %and3A_46, %broadcast_in_dim3A_49, %broadcast_in_dim3A_50 : vector<16xi1>, vector<16xf32>
        %swap3A = arith.constant 0 : i32
        %swap3A_52 = arith.index_cast %swap3A : i32 to index
        %swap3A_53 = arith.constant 0 : index
        %swap3A_54 = tpu.vector_load %arg12[%swap3A_52, %swap3A_53] {strides = array<i32>} : memref<16x32xf32, #tpu.memory_space<vmem>>, vector<16xf32>,
        tpu.vector_store %arg12[%swap3A_52, %swap3A_53], %select_n3A {strides = array<i32>} : memref<16x32xf32, #tpu.memory_space<vmem>>, vector<16xf32>,
        %swap3A_55 = arith.constant 0 : i32
        %swap3A_56 = arith.index_cast %swap3A_55 : i32 to index
        %swap3A_57 = arith.constant 16 : index
        %swap3A_58 = tpu.vector_load %arg12[%swap3A_56, %swap3A_57] {strides = array<i32>} : memref<16x32xf32, #tpu.memory_space<vmem>>, vector<16xf32>,
        tpu.vector_store %arg12[%swap3A_56, %swap3A_57], %select_n3A_51 {strides = array<i32>} : memref<16x32xf32, #tpu.memory_space<vmem>>, vector<16xf32>,
        %broadcast_in_dim3A_59 = arith.constant 0 : i32
        %broadcast_in_dim3A_60 = vector.broadcast %broadcast_in_dim3A_59 : i32 to vector<16xi32>
        %mul3A_61 = arith.constant 16 : i32
        %mul3A_62 = arith.muli %scan3A_26, %mul3A_61 : i32
        %add3A_63 = arith.constant 1 : i32
        %add3A_64 = arith.addi %mul3A_62, %add3A_63 : i32
        %add3A_65 = vector.broadcast %add3A_64 : i32 to vector<16xi32>
        %add3A_66 = arith.addi %broadcast_in_dim3A_60, %add3A_65 : vector<16xi32>
        %gather3A_67 = tpu.vector_load_idx %arg8[%add3A_66] : memref<400xi32, #tpu.memory_space<vmem>>[vector<16xi32>], vector<16xi32>,
        %gather3A_68 = tpu.vector_load_idx %arg10[%add3A_66] : memref<400xi32, #tpu.memory_space<vmem>>[vector<16xi32>], vector<16xi32>,
        %eq3A_69 = arith.constant 1 : i32
        %eq3A_70 = vector.broadcast %eq3A_69 : i32 to vector<16xi32>
        %eq3A_71 = arith.cmpi eq, %gather3A_68, %eq3A_70 : vector<16xi32>
        %eq3A_72 = arith.cmpi eq, %get3A_5, %gather3A_67 : vector<16xi32>
        %and3A_73 = arith.andi %eq3A_71, %eq3A_72 : vector<16xi1>
        %jit3A_74 = arith.constant 1.000000e+00 : f32
        %jit3A_75 = arith.constant 0.000000e+00 : f32
        %broadcast_in_dim3A_76 = vector.broadcast %jit3A_74 : f32 to vector<16xf32>
        %broadcast_in_dim3A_77 = vector.broadcast %jit3A_75 : f32 to vector<16xf32>
        %select_n3A_78 = arith.select %and3A_73, %broadcast_in_dim3A_76, %broadcast_in_dim3A_77 : vector<16xi1>, vector<16xf32>
        %eq3A_79 = arith.cmpi eq, %get3A_7, %gather3A_67 : vector<16xi32>
        %and3A_80 = arith.andi %eq3A_71, %eq3A_79 : vector<16xi1>
        %jit3A_81 = arith.constant 1.000000e+00 : f32
        %jit3A_82 = arith.constant 0.000000e+00 : f32
        %broadcast_in_dim3A_83 = vector.broadcast %jit3A_81 : f32 to vector<16xf32>
        %broadcast_in_dim3A_84 = vector.broadcast %jit3A_82 : f32 to vector<16xf32>
        %select_n3A_85 = arith.select %and3A_80, %broadcast_in_dim3A_83, %broadcast_in_dim3A_84 : vector<16xi1>, vector<16xf32>
        %swap3A_86 = arith.constant 1 : i32
        %swap3A_87 = arith.index_cast %swap3A_86 : i32 to index
        %swap3A_88 = arith.constant 0 : index
        %swap3A_89 = tpu.vector_load %arg12[%swap3A_87, %swap3A_88] {strides = array<i32>} : memref<16x32xf32, #tpu.memory_space<vmem>>, vector<16xf32>,
        tpu.vector_store %arg12[%swap3A_87, %swap3A_88], %select_n3A_78 {strides = array<i32>} : memref<16x32xf32, #tpu.memory_space<vmem>>, vector<16xf32>,
        %swap3A_90 = arith.constant 1 : i32
        %swap3A_91 = arith.index_cast %swap3A_90 : i32 to index
        %swap3A_92 = arith.constant 16 : index
        %swap3A_93 = tpu.vector_load %arg12[%swap3A_91, %swap3A_92] {strides = array<i32>} : memref<16x32xf32, #tpu.memory_space<vmem>>, vector<16xf32>,
        tpu.vector_store %arg12[%swap3A_91, %swap3A_92], %select_n3A_85 {strides = array<i32>} : memref<16x32xf32, #tpu.memory_space<vmem>>, vector<16xf32>,
        %broadcast_in_dim3A_94 = arith.constant 0 : i32
        %broadcast_in_dim3A_95 = vector.broadcast %broadcast_in_dim3A_94 : i32 to vector<16xi32>
        %mul3A_96 = arith.constant 16 : i32
        %mul3A_97 = arith.muli %scan3A_26, %mul3A_96 : i32
        %add3A_98 = arith.constant 2 : i32
        %add3A_99 = arith.addi %mul3A_97, %add3A_98 : i32
        %add3A_100 = vector.broadcast %add3A_99 : i32 to vector<16xi32>
        %add3A_101 = arith.addi %broadcast_in_dim3A_95, %add3A_100 : vector<16xi32>
        %gather3A_102 = tpu.vector_load_idx %arg8[%add3A_101] : memref<400xi32, #tpu.memory_space<vmem>>[vector<16xi32>], vector<16xi32>,
        %gather3A_103 = tpu.vector_load_idx %arg10[%add3A_101] : memref<400xi32, #tpu.memory_space<vmem>>[vector<16xi32>], vector<16xi32>,
        %eq3A_104 = arith.constant 1 : i32
        %eq3A_105 = vector.broadcast %eq3A_104 : i32 to vector<16xi32>
        %eq3A_106 = arith.cmpi eq, %gather3A_103, %eq3A_105 : vector<16xi32>
        %eq3A_107 = arith.cmpi eq, %get3A_5, %gather3A_102 : vector<16xi32>
        %and3A_108 = arith.andi %eq3A_106, %eq3A_107 : vector<16xi1>
        %jit3A_109 = arith.constant 1.000000e+00 : f32
        %jit3A_110 = arith.constant 0.000000e+00 : f32
        %broadcast_in_dim3A_111 = vector.broadcast %jit3A_109 : f32 to vector<16xf32>
        %broadcast_in_dim3A_112 = vector.broadcast %jit3A_110 : f32 to vector<16xf32>
        %select_n3A_113 = arith.select %and3A_108, %broadcast_in_dim3A_111, %broadcast_in_dim3A_112 : vector<16xi1>, vector<16xf32>
        %eq3A_114 = arith.cmpi eq, %get3A_7, %gather3A_102 : vector<16xi32>
        %and3A_115 = arith.andi %eq3A_106, %eq3A_114 : vector<16xi1>
        %jit3A_116 = arith.constant 1.000000e+00 : f32
        %jit3A_117 = arith.constant 0.000000e+00 : f32
        %broadcast_in_dim3A_118 = vector.broadcast %jit3A_116 : f32 to vector<16xf32>
        %broadcast_in_dim3A_119 = vector.broadcast %jit3A_117 : f32 to vector<16xf32>
        %select_n3A_120 = arith.select %and3A_115, %broadcast_in_dim3A_118, %broadcast_in_dim3A_119 : vector<16xi1>, vector<16xf32>
        %swap3A_121 = arith.constant 2 : i32
        %swap3A_122 = arith.index_cast %swap3A_121 : i32 to index
        %swap3A_123 = arith.constant 0 : index
        %swap3A_124 = tpu.vector_load %arg12[%swap3A_122, %swap3A_123] {strides = array<i32>} : memref<16x32xf32, #tpu.memory_space<vmem>>, vector<16xf32>,
        tpu.vector_store %arg12[%swap3A_122, %swap3A_123], %select_n3A_113 {strides = array<i32>} : memref<16x32xf32, #tpu.memory_space<vmem>>, vector<16xf32>,
        %swap3A_125 = arith.constant 2 : i32
        %swap3A_126 = arith.index_cast %swap3A_125 : i32 to index
        %swap3A_127 = arith.constant 16 : index
        %swap3A_128 = tpu.vector_load %arg12[%swap3A_126, %swap3A_127] {strides = array<i32>} : memref<16x32xf32, #tpu.memory_space<vmem>>, vector<16xf32>,
        tpu.vector_store %arg12[%swap3A_126, %swap3A_127], %select_n3A_120 {strides = array<i32>} : memref<16x32xf32, #tpu.memory_space<vmem>>, vector<16xf32>,
        %broadcast_in_dim3A_129 = arith.constant 0 : i32
        %broadcast_in_dim3A_130 = vector.broadcast %broadcast_in_dim3A_129 : i32 to vector<16xi32>
        %mul3A_131 = arith.constant 16 : i32
        %mul3A_132 = arith.muli %scan3A_26, %mul3A_131 : i32
        %add3A_133 = arith.constant 3 : i32
        %add3A_134 = arith.addi %mul3A_132, %add3A_133 : i32
        %add3A_135 = vector.broadcast %add3A_134 : i32 to vector<16xi32>
        %add3A_136 = arith.addi %broadcast_in_dim3A_130, %add3A_135 : vector<16xi32>
        %gather3A_137 = tpu.vector_load_idx %arg8[%add3A_136] : memref<400xi32, #tpu.memory_space<vmem>>[vector<16xi32>], vector<16xi32>,
        %gather3A_138 = tpu.vector_load_idx %arg10[%add3A_136] : memref<400xi32, #tpu.memory_space<vmem>>[vector<16xi32>], vector<16xi32>,
        %eq3A_139 = arith.constant 1 : i32
        %eq3A_140 = vector.broadcast %eq3A_139 : i32 to vector<16xi32>
        %eq3A_141 = arith.cmpi eq, %gather3A_138, %eq3A_140 : vector<16xi32>
        %eq3A_142 = arith.cmpi eq, %get3A_5, %gather3A_137 : vector<16xi32>
        %and3A_143 = arith.andi %eq3A_141, %eq3A_142 : vector<16xi1>
        %jit3A_144 = arith.constant 1.000000e+00 : f32
        %jit3A_145 = arith.constant 0.000000e+00 : f32
        %broadcast_in_dim3A_146 = vector.broadcast %jit3A_144 : f32 to vector<16xf32>
        %broadcast_in_dim3A_147 = vector.broadcast %jit3A_145 : f32 to vector<16xf32>
        %select_n3A_148 = arith.select %and3A_143, %broadcast_in_dim3A_146, %broadcast_in_dim3A_147 : vector<16xi1>, vector<16xf32>
        %eq3A_149 = arith.cmpi eq, %get3A_7, %gather3A_137 : vector<16xi32>
        %and3A_150 = arith.andi %eq3A_141, %eq3A_149 : vector<16xi1>
        %jit3A_151 = arith.constant 1.000000e+00 : f32
        %jit3A_152 = arith.constant 0.000000e+00 : f32
        %broadcast_in_dim3A_153 = vector.broadcast %jit3A_151 : f32 to vector<16xf32>
        %broadcast_in_dim3A_154 = vector.broadcast %jit3A_152 : f32 to vector<16xf32>
        %select_n3A_155 = arith.select %and3A_150, %broadcast_in_dim3A_153, %broadcast_in_dim3A_154 : vector<16xi1>, vector<16xf32>
        %swap3A_156 = arith.constant 3 : i32
        %swap3A_157 = arith.index_cast %swap3A_156 : i32 to index
        %swap3A_158 = arith.constant 0 : index
        %swap3A_159 = tpu.vector_load %arg12[%swap3A_157, %swap3A_158] {strides = array<i32>} : memref<16x32xf32, #tpu.memory_space<vmem>>, vector<16xf32>,
        tpu.vector_store %arg12[%swap3A_157, %swap3A_158], %select_n3A_148 {strides = array<i32>} : memref<16x32xf32, #tpu.memory_space<vmem>>, vector<16xf32>,
        %swap3A_160 = arith.constant 3 : i32
        %swap3A_161 = arith.index_cast %swap3A_160 : i32 to index
        %swap3A_162 = arith.constant 16 : index
        %swap3A_163 = tpu.vector_load %arg12[%swap3A_161, %swap3A_162] {strides = array<i32>} : memref<16x32xf32, #tpu.memory_space<vmem>>, vector<16xf32>,
        tpu.vector_store %arg12[%swap3A_161, %swap3A_162], %select_n3A_155 {strides = array<i32>} : memref<16x32xf32, #tpu.memory_space<vmem>>, vector<16xf32>,
        %broadcast_in_dim3A_164 = arith.constant 0 : i32
        %broadcast_in_dim3A_165 = vector.broadcast %broadcast_in_dim3A_164 : i32 to vector<16xi32>
        %mul3A_166 = arith.constant 16 : i32
        %mul3A_167 = arith.muli %scan3A_26, %mul3A_166 : i32
        %add3A_168 = arith.constant 4 : i32
        %add3A_169 = arith.addi %mul3A_167, %add3A_168 : i32
        %add3A_170 = vector.broadcast %add3A_169 : i32 to vector<16xi32>
        %add3A_171 = arith.addi %broadcast_in_dim3A_165, %add3A_170 : vector<16xi32>
        %gather3A_172 = tpu.vector_load_idx %arg8[%add3A_171] : memref<400xi32, #tpu.memory_space<vmem>>[vector<16xi32>], vector<16xi32>,
        %gather3A_173 = tpu.vector_load_idx %arg10[%add3A_171] : memref<400xi32, #tpu.memory_space<vmem>>[vector<16xi32>], vector<16xi32>,
        %eq3A_174 = arith.constant 1 : i32
        %eq3A_175 = vector.broadcast %eq3A_174 : i32 to vector<16xi32>
        %eq3A_176 = arith.cmpi eq, %gather3A_173, %eq3A_175 : vector<16xi32>
        %eq3A_177 = arith.cmpi eq, %get3A_5, %gather3A_172 : vector<16xi32>
        %and3A_178 = arith.andi %eq3A_176, %eq3A_177 : vector<16xi1>
        %jit3A_179 = arith.constant 1.000000e+00 : f32
        %jit3A_180 = arith.constant 0.000000e+00 : f32
        %broadcast_in_dim3A_181 = vector.broadcast %jit3A_179 : f32 to vector<16xf32>
        %broadcast_in_dim3A_182 = vector.broadcast %jit3A_180 : f32 to vector<16xf32>
        %select_n3A_183 = arith.select %and3A_178, %broadcast_in_dim3A_181, %broadcast_in_dim3A_182 : vector<16xi1>, vector<16xf32>
        %eq3A_184 = arith.cmpi eq, %get3A_7, %gather3A_172 : vector<16xi32>
        %and3A_185 = arith.andi %eq3A_176, %eq3A_184 : vector<16xi1>
        %jit3A_186 = arith.constant 1.000000e+00 : f32
        %jit3A_187 = arith.constant 0.000000e+00 : f32
        %broadcast_in_dim3A_188 = vector.broadcast %jit3A_186 : f32 to vector<16xf32>
        %broadcast_in_dim3A_189 = vector.broadcast %jit3A_187 : f32 to vector<16xf32>
        %select_n3A_190 = arith.select %and3A_185, %broadcast_in_dim3A_188, %broadcast_in_dim3A_189 : vector<16xi1>, vector<16xf32>
        %swap3A_191 = arith.constant 4 : i32
        %swap3A_192 = arith.index_cast %swap3A_191 : i32 to index
        %swap3A_193 = arith.constant 0 : index
        %swap3A_194 = tpu.vector_load %arg12[%swap3A_192, %swap3A_193] {strides = array<i32>} : memref<16x32xf32, #tpu.memory_space<vmem>>, vector<16xf32>,
        tpu.vector_store %arg12[%swap3A_192, %swap3A_193], %select_n3A_183 {strides = array<i32>} : memref<16x32xf32, #tpu.memory_space<vmem>>, vector<16xf32>,
        %swap3A_195 = arith.constant 4 : i32
        %swap3A_196 = arith.index_cast %swap3A_195 : i32 to index
        %swap3A_197 = arith.constant 16 : index
        %swap3A_198 = tpu.vector_load %arg12[%swap3A_196, %swap3A_197] {strides = array<i32>} : memref<16x32xf32, #tpu.memory_space<vmem>>, vector<16xf32>,
        tpu.vector_store %arg12[%swap3A_196, %swap3A_197], %select_n3A_190 {strides = array<i32>} : memref<16x32xf32, #tpu.memory_space<vmem>>, vector<16xf32>,
        %broadcast_in_dim3A_199 = arith.constant 0 : i32
        %broadcast_in_dim3A_200 = vector.broadcast %broadcast_in_dim3A_199 : i32 to vector<16xi32>
        %mul3A_201 = arith.constant 16 : i32
        %mul3A_202 = arith.muli %scan3A_26, %mul3A_201 : i32
        %add3A_203 = arith.constant 5 : i32
        %add3A_204 = arith.addi %mul3A_202, %add3A_203 : i32
        %add3A_205 = vector.broadcast %add3A_204 : i32 to vector<16xi32>
        %add3A_206 = arith.addi %broadcast_in_dim3A_200, %add3A_205 : vector<16xi32>
        %gather3A_207 = tpu.vector_load_idx %arg8[%add3A_206] : memref<400xi32, #tpu.memory_space<vmem>>[vector<16xi32>], vector<16xi32>,
        %gather3A_208 = tpu.vector_load_idx %arg10[%add3A_206] : memref<400xi32, #tpu.memory_space<vmem>>[vector<16xi32>], vector<16xi32>,
        %eq3A_209 = arith.constant 1 : i32
        %eq3A_210 = vector.broadcast %eq3A_209 : i32 to vector<16xi32>
        %eq3A_211 = arith.cmpi eq, %gather3A_208, %eq3A_210 : vector<16xi32>
        %eq3A_212 = arith.cmpi eq, %get3A_5, %gather3A_207 : vector<16xi32>
        %and3A_213 = arith.andi %eq3A_211, %eq3A_212 : vector<16xi1>
        %jit3A_214 = arith.constant 1.000000e+00 : f32
        %jit3A_215 = arith.constant 0.000000e+00 : f32
        %broadcast_in_dim3A_216 = vector.broadcast %jit3A_214 : f32 to vector<16xf32>
        %broadcast_in_dim3A_217 = vector.broadcast %jit3A_215 : f32 to vector<16xf32>
        %select_n3A_218 = arith.select %and3A_213, %broadcast_in_dim3A_216, %broadcast_in_dim3A_217 : vector<16xi1>, vector<16xf32>
        %eq3A_219 = arith.cmpi eq, %get3A_7, %gather3A_207 : vector<16xi32>
        %and3A_220 = arith.andi %eq3A_211, %eq3A_219 : vector<16xi1>
        %jit3A_221 = arith.constant 1.000000e+00 : f32
        %jit3A_222 = arith.constant 0.000000e+00 : f32
        %broadcast_in_dim3A_223 = vector.broadcast %jit3A_221 : f32 to vector<16xf32>
        %broadcast_in_dim3A_224 = vector.broadcast %jit3A_222 : f32 to vector<16xf32>
        %select_n3A_225 = arith.select %and3A_220, %broadcast_in_dim3A_223, %broadcast_in_dim3A_224 : vector<16xi1>, vector<16xf32>
        %swap3A_226 = arith.constant 5 : i32
        %swap3A_227 = arith.index_cast %swap3A_226 : i32 to index
        %swap3A_228 = arith.constant 0 : index
        %swap3A_229 = tpu.vector_load %arg12[%swap3A_227, %swap3A_228] {strides = array<i32>} : memref<16x32xf32, #tpu.memory_space<vmem>>, vector<16xf32>,
        tpu.vector_store %arg12[%swap3A_227, %swap3A_228], %select_n3A_218 {strides = array<i32>} : memref<16x32xf32, #tpu.memory_space<vmem>>, vector<16xf32>,
        %swap3A_230 = arith.constant 5 : i32
        %swap3A_231 = arith.index_cast %swap3A_230 : i32 to index
        %swap3A_232 = arith.constant 16 : index
        %swap3A_233 = tpu.vector_load %arg12[%swap3A_231, %swap3A_232] {strides = array<i32>} : memref<16x32xf32, #tpu.memory_space<vmem>>, vector<16xf32>,
        tpu.vector_store %arg12[%swap3A_231, %swap3A_232], %select_n3A_225 {strides = array<i32>} : memref<16x32xf32, #tpu.memory_space<vmem>>, vector<16xf32>,
        %broadcast_in_dim3A_234 = arith.constant 0 : i32
        %broadcast_in_dim3A_235 = vector.broadcast %broadcast_in_dim3A_234 : i32 to vector<16xi32>
        %mul3A_236 = arith.constant 16 : i32
        %mul3A_237 = arith.muli %scan3A_26, %mul3A_236 : i32
        %add3A_238 = arith.constant 6 : i32
        %add3A_239 = arith.addi %mul3A_237, %add3A_238 : i32
        %add3A_240 = vector.broadcast %add3A_239 : i32 to vector<16xi32>
        %add3A_241 = arith.addi %broadcast_in_dim3A_235, %add3A_240 : vector<16xi32>
        %gather3A_242 = tpu.vector_load_idx %arg8[%add3A_241] : memref<400xi32, #tpu.memory_space<vmem>>[vector<16xi32>], vector<16xi32>,
        %gather3A_243 = tpu.vector_load_idx %arg10[%add3A_241] : memref<400xi32, #tpu.memory_space<vmem>>[vector<16xi32>], vector<16xi32>,
        %eq3A_244 = arith.constant 1 : i32
        %eq3A_245 = vector.broadcast %eq3A_244 : i32 to vector<16xi32>
        %eq3A_246 = arith.cmpi eq, %gather3A_243, %eq3A_245 : vector<16xi32>
        %eq3A_247 = arith.cmpi eq, %get3A_5, %gather3A_242 : vector<16xi32>
        %and3A_248 = arith.andi %eq3A_246, %eq3A_247 : vector<16xi1>
        %jit3A_249 = arith.constant 1.000000e+00 : f32
        %jit3A_250 = arith.constant 0.000000e+00 : f32
        %broadcast_in_dim3A_251 = vector.broadcast %jit3A_249 : f32 to vector<16xf32>
        %broadcast_in_dim3A_252 = vector.broadcast %jit3A_250 : f32 to vector<16xf32>
        %select_n3A_253 = arith.select %and3A_248, %broadcast_in_dim3A_251, %broadcast_in_dim3A_252 : vector<16xi1>, vector<16xf32>
        %eq3A_254 = arith.cmpi eq, %get3A_7, %gather3A_242 : vector<16xi32>
        %and3A_255 = arith.andi %eq3A_246, %eq3A_254 : vector<16xi1>
        %jit3A_256 = arith.constant 1.000000e+00 : f32
        %jit3A_257 = arith.constant 0.000000e+00 : f32
        %broadcast_in_dim3A_258 = vector.broadcast %jit3A_256 : f32 to vector<16xf32>
        %broadcast_in_dim3A_259 = vector.broadcast %jit3A_257 : f32 to vector<16xf32>
        %select_n3A_260 = arith.select %and3A_255, %broadcast_in_dim3A_258, %broadcast_in_dim3A_259 : vector<16xi1>, vector<16xf32>
        %swap3A_261 = arith.constant 6 : i32
        %swap3A_262 = arith.index_cast %swap3A_261 : i32 to index
        %swap3A_263 = arith.constant 0 : index
        %swap3A_264 = tpu.vector_load %arg12[%swap3A_262, %swap3A_263] {strides = array<i32>} : memref<16x32xf32, #tpu.memory_space<vmem>>, vector<16xf32>,
        tpu.vector_store %arg12[%swap3A_262, %swap3A_263], %select_n3A_253 {strides = array<i32>} : memref<16x32xf32, #tpu.memory_space<vmem>>, vector<16xf32>,
        %swap3A_265 = arith.constant 6 : i32
        %swap3A_266 = arith.index_cast %swap3A_265 : i32 to index
        %swap3A_267 = arith.constant 16 : index
        %swap3A_268 = tpu.vector_load %arg12[%swap3A_266, %swap3A_267] {strides = array<i32>} : memref<16x32xf32, #tpu.memory_space<vmem>>, vector<16xf32>,
        tpu.vector_store %arg12[%swap3A_266, %swap3A_267], %select_n3A_260 {strides = array<i32>} : memref<16x32xf32, #tpu.memory_space<vmem>>, vector<16xf32>,
        %broadcast_in_dim3A_269 = arith.constant 0 : i32
        %broadcast_in_dim3A_270 = vector.broadcast %broadcast_in_dim3A_269 : i32 to vector<16xi32>
        %mul3A_271 = arith.constant 16 : i32
        %mul3A_272 = arith.muli %scan3A_26, %mul3A_271 : i32
        %add3A_273 = arith.constant 7 : i32
        %add3A_274 = arith.addi %mul3A_272, %add3A_273 : i32
        %add3A_275 = vector.broadcast %add3A_274 : i32 to vector<16xi32>
        %add3A_276 = arith.addi %broadcast_in_dim3A_270, %add3A_275 : vector<16xi32>
        %gather3A_277 = tpu.vector_load_idx %arg8[%add3A_276] : memref<400xi32, #tpu.memory_space<vmem>>[vector<16xi32>], vector<16xi32>,
        %gather3A_278 = tpu.vector_load_idx %arg10[%add3A_276] : memref<400xi32, #tpu.memory_space<vmem>>[vector<16xi32>], vector<16xi32>,
        %eq3A_279 = arith.constant 1 : i32
        %eq3A_280 = vector.broadcast %eq3A_279 : i32 to vector<16xi32>
        %eq3A_281 = arith.cmpi eq, %gather3A_278, %eq3A_280 : vector<16xi32>
        %eq3A_282 = arith.cmpi eq, %get3A_5, %gather3A_277 : vector<16xi32>
        %and3A_283 = arith.andi %eq3A_281, %eq3A_282 : vector<16xi1>
        %jit3A_284 = arith.constant 1.000000e+00 : f32
        %jit3A_285 = arith.constant 0.000000e+00 : f32
        %broadcast_in_dim3A_286 = vector.broadcast %jit3A_284 : f32 to vector<16xf32>
        %broadcast_in_dim3A_287 = vector.broadcast %jit3A_285 : f32 to vector<16xf32>
        %select_n3A_288 = arith.select %and3A_283, %broadcast_in_dim3A_286, %broadcast_in_dim3A_287 : vector<16xi1>, vector<16xf32>
        %eq3A_289 = arith.cmpi eq, %get3A_7, %gather3A_277 : vector<16xi32>
        %and3A_290 = arith.andi %eq3A_281, %eq3A_289 : vector<16xi1>
        %jit3A_291 = arith.constant 1.000000e+00 : f32
        %jit3A_292 = arith.constant 0.000000e+00 : f32
        %broadcast_in_dim3A_293 = vector.broadcast %jit3A_291 : f32 to vector<16xf32>
        %broadcast_in_dim3A_294 = vector.broadcast %jit3A_292 : f32 to vector<16xf32>
        %select_n3A_295 = arith.select %and3A_290, %broadcast_in_dim3A_293, %broadcast_in_dim3A_294 : vector<16xi1>, vector<16xf32>
        %swap3A_296 = arith.constant 7 : i32
        %swap3A_297 = arith.index_cast %swap3A_296 : i32 to index
        %swap3A_298 = arith.constant 0 : index
        %swap3A_299 = tpu.vector_load %arg12[%swap3A_297, %swap3A_298] {strides = array<i32>} : memref<16x32xf32, #tpu.memory_space<vmem>>, vector<16xf32>,
        tpu.vector_store %arg12[%swap3A_297, %swap3A_298], %select_n3A_288 {strides = array<i32>} : memref<16x32xf32, #tpu.memory_space<vmem>>, vector<16xf32>,
        %swap3A_300 = arith.constant 7 : i32
        %swap3A_301 = arith.index_cast %swap3A_300 : i32 to index
        %swap3A_302 = arith.constant 16 : index
        %swap3A_303 = tpu.vector_load %arg12[%swap3A_301, %swap3A_302] {strides = array<i32>} : memref<16x32xf32, #tpu.memory_space<vmem>>, vector<16xf32>,
        tpu.vector_store %arg12[%swap3A_301, %swap3A_302], %select_n3A_295 {strides = array<i32>} : memref<16x32xf32, #tpu.memory_space<vmem>>, vector<16xf32>,
        %broadcast_in_dim3A_304 = arith.constant 0 : i32
        %broadcast_in_dim3A_305 = vector.broadcast %broadcast_in_dim3A_304 : i32 to vector<16xi32>
        %mul3A_306 = arith.constant 16 : i32
        %mul3A_307 = arith.muli %scan3A_26, %mul3A_306 : i32
        %add3A_308 = arith.constant 8 : i32
        %add3A_309 = arith.addi %mul3A_307, %add3A_308 : i32
        %add3A_310 = vector.broadcast %add3A_309 : i32 to vector<16xi32>
        %add3A_311 = arith.addi %broadcast_in_dim3A_305, %add3A_310 : vector<16xi32>
        %gather3A_312 = tpu.vector_load_idx %arg8[%add3A_311] : memref<400xi32, #tpu.memory_space<vmem>>[vector<16xi32>], vector<16xi32>,
        %gather3A_313 = tpu.vector_load_idx %arg10[%add3A_311] : memref<400xi32, #tpu.memory_space<vmem>>[vector<16xi32>], vector<16xi32>,
        %eq3A_314 = arith.constant 1 : i32
        %eq3A_315 = vector.broadcast %eq3A_314 : i32 to vector<16xi32>
        %eq3A_316 = arith.cmpi eq, %gather3A_313, %eq3A_315 : vector<16xi32>
        %eq3A_317 = arith.cmpi eq, %get3A_5, %gather3A_312 : vector<16xi32>
        %and3A_318 = arith.andi %eq3A_316, %eq3A_317 : vector<16xi1>
        %jit3A_319 = arith.constant 1.000000e+00 : f32
        %jit3A_320 = arith.constant 0.000000e+00 : f32
        %broadcast_in_dim3A_321 = vector.broadcast %jit3A_319 : f32 to vector<16xf32>
        %broadcast_in_dim3A_322 = vector.broadcast %jit3A_320 : f32 to vector<16xf32>
        %select_n3A_323 = arith.select %and3A_318, %broadcast_in_dim3A_321, %broadcast_in_dim3A_322 : vector<16xi1>, vector<16xf32>
        %eq3A_324 = arith.cmpi eq, %get3A_7, %gather3A_312 : vector<16xi32>
        %and3A_325 = arith.andi %eq3A_316, %eq3A_324 : vector<16xi1>
        %jit3A_326 = arith.constant 1.000000e+00 : f32
        %jit3A_327 = arith.constant 0.000000e+00 : f32
        %broadcast_in_dim3A_328 = vector.broadcast %jit3A_326 : f32 to vector<16xf32>
        %broadcast_in_dim3A_329 = vector.broadcast %jit3A_327 : f32 to vector<16xf32>
        %select_n3A_330 = arith.select %and3A_325, %broadcast_in_dim3A_328, %broadcast_in_dim3A_329 : vector<16xi1>, vector<16xf32>
        %swap3A_331 = arith.constant 8 : i32
        %swap3A_332 = arith.index_cast %swap3A_331 : i32 to index
        %swap3A_333 = arith.constant 0 : index
        %swap3A_334 = tpu.vector_load %arg12[%swap3A_332, %swap3A_333] {strides = array<i32>} : memref<16x32xf32, #tpu.memory_space<vmem>>, vector<16xf32>,
        tpu.vector_store %arg12[%swap3A_332, %swap3A_333], %select_n3A_323 {strides = array<i32>} : memref<16x32xf32, #tpu.memory_space<vmem>>, vector<16xf32>,
        %swap3A_335 = arith.constant 8 : i32
        %swap3A_336 = arith.index_cast %swap3A_335 : i32 to index
        %swap3A_337 = arith.constant 16 : index
        %swap3A_338 = tpu.vector_load %arg12[%swap3A_336, %swap3A_337] {strides = array<i32>} : memref<16x32xf32, #tpu.memory_space<vmem>>, vector<16xf32>,
        tpu.vector_store %arg12[%swap3A_336, %swap3A_337], %select_n3A_330 {strides = array<i32>} : memref<16x32xf32, #tpu.memory_space<vmem>>, vector<16xf32>,
        %broadcast_in_dim3A_339 = arith.constant 0 : i32
        %broadcast_in_dim3A_340 = vector.broadcast %broadcast_in_dim3A_339 : i32 to vector<16xi32>
        %mul3A_341 = arith.constant 16 : i32
        %mul3A_342 = arith.muli %scan3A_26, %mul3A_341 : i32
        %add3A_343 = arith.constant 9 : i32
        %add3A_344 = arith.addi %mul3A_342, %add3A_343 : i32
        %add3A_345 = vector.broadcast %add3A_344 : i32 to vector<16xi32>
        %add3A_346 = arith.addi %broadcast_in_dim3A_340, %add3A_345 : vector<16xi32>
        %gather3A_347 = tpu.vector_load_idx %arg8[%add3A_346] : memref<400xi32, #tpu.memory_space<vmem>>[vector<16xi32>], vector<16xi32>,
        %gather3A_348 = tpu.vector_load_idx %arg10[%add3A_346] : memref<400xi32, #tpu.memory_space<vmem>>[vector<16xi32>], vector<16xi32>,
        %eq3A_349 = arith.constant 1 : i32
        %eq3A_350 = vector.broadcast %eq3A_349 : i32 to vector<16xi32>
        %eq3A_351 = arith.cmpi eq, %gather3A_348, %eq3A_350 : vector<16xi32>
        %eq3A_352 = arith.cmpi eq, %get3A_5, %gather3A_347 : vector<16xi32>
        %and3A_353 = arith.andi %eq3A_351, %eq3A_352 : vector<16xi1>
        %jit3A_354 = arith.constant 1.000000e+00 : f32
        %jit3A_355 = arith.constant 0.000000e+00 : f32
        %broadcast_in_dim3A_356 = vector.broadcast %jit3A_354 : f32 to vector<16xf32>
        %broadcast_in_dim3A_357 = vector.broadcast %jit3A_355 : f32 to vector<16xf32>
        %select_n3A_358 = arith.select %and3A_353, %broadcast_in_dim3A_356, %broadcast_in_dim3A_357 : vector<16xi1>, vector<16xf32>
        %eq3A_359 = arith.cmpi eq, %get3A_7, %gather3A_347 : vector<16xi32>
        %and3A_360 = arith.andi %eq3A_351, %eq3A_359 : vector<16xi1>
        %jit3A_361 = arith.constant 1.000000e+00 : f32
        %jit3A_362 = arith.constant 0.000000e+00 : f32
        %broadcast_in_dim3A_363 = vector.broadcast %jit3A_361 : f32 to vector<16xf32>
        %broadcast_in_dim3A_364 = vector.broadcast %jit3A_362 : f32 to vector<16xf32>
        %select_n3A_365 = arith.select %and3A_360, %broadcast_in_dim3A_363, %broadcast_in_dim3A_364 : vector<16xi1>, vector<16xf32>
        %swap3A_366 = arith.constant 9 : i32
        %swap3A_367 = arith.index_cast %swap3A_366 : i32 to index
        %swap3A_368 = arith.constant 0 : index
        %swap3A_369 = tpu.vector_load %arg12[%swap3A_367, %swap3A_368] {strides = array<i32>} : memref<16x32xf32, #tpu.memory_space<vmem>>, vector<16xf32>,
        tpu.vector_store %arg12[%swap3A_367, %swap3A_368], %select_n3A_358 {strides = array<i32>} : memref<16x32xf32, #tpu.memory_space<vmem>>, vector<16xf32>,
        %swap3A_370 = arith.constant 9 : i32
        %swap3A_371 = arith.index_cast %swap3A_370 : i32 to index
        %swap3A_372 = arith.constant 16 : index
        %swap3A_373 = tpu.vector_load %arg12[%swap3A_371, %swap3A_372] {strides = array<i32>} : memref<16x32xf32, #tpu.memory_space<vmem>>, vector<16xf32>,
        tpu.vector_store %arg12[%swap3A_371, %swap3A_372], %select_n3A_365 {strides = array<i32>} : memref<16x32xf32, #tpu.memory_space<vmem>>, vector<16xf32>,
        %broadcast_in_dim3A_374 = arith.constant 0 : i32
        %broadcast_in_dim3A_375 = vector.broadcast %broadcast_in_dim3A_374 : i32 to vector<16xi32>
        %mul3A_376 = arith.constant 16 : i32
        %mul3A_377 = arith.muli %scan3A_26, %mul3A_376 : i32
        %add3A_378 = arith.constant 10 : i32
        %add3A_379 = arith.addi %mul3A_377, %add3A_378 : i32
        %add3A_380 = vector.broadcast %add3A_379 : i32 to vector<16xi32>
        %add3A_381 = arith.addi %broadcast_in_dim3A_375, %add3A_380 : vector<16xi32>
        %gather3A_382 = tpu.vector_load_idx %arg8[%add3A_381] : memref<400xi32, #tpu.memory_space<vmem>>[vector<16xi32>], vector<16xi32>,
        %gather3A_383 = tpu.vector_load_idx %arg10[%add3A_381] : memref<400xi32, #tpu.memory_space<vmem>>[vector<16xi32>], vector<16xi32>,
        %eq3A_384 = arith.constant 1 : i32
        %eq3A_385 = vector.broadcast %eq3A_384 : i32 to vector<16xi32>
        %eq3A_386 = arith.cmpi eq, %gather3A_383, %eq3A_385 : vector<16xi32>
        %eq3A_387 = arith.cmpi eq, %get3A_5, %gather3A_382 : vector<16xi32>
        %and3A_388 = arith.andi %eq3A_386, %eq3A_387 : vector<16xi1>
        %jit3A_389 = arith.constant 1.000000e+00 : f32
        %jit3A_390 = arith.constant 0.000000e+00 : f32
        %broadcast_in_dim3A_391 = vector.broadcast %jit3A_389 : f32 to vector<16xf32>
        %broadcast_in_dim3A_392 = vector.broadcast %jit3A_390 : f32 to vector<16xf32>
        %select_n3A_393 = arith.select %and3A_388, %broadcast_in_dim3A_391, %broadcast_in_dim3A_392 : vector<16xi1>, vector<16xf32>
        %eq3A_394 = arith.cmpi eq, %get3A_7, %gather3A_382 : vector<16xi32>
        %and3A_395 = arith.andi %eq3A_386, %eq3A_394 : vector<16xi1>
        %jit3A_396 = arith.constant 1.000000e+00 : f32
        %jit3A_397 = arith.constant 0.000000e+00 : f32
        %broadcast_in_dim3A_398 = vector.broadcast %jit3A_396 : f32 to vector<16xf32>
        %broadcast_in_dim3A_399 = vector.broadcast %jit3A_397 : f32 to vector<16xf32>
        %select_n3A_400 = arith.select %and3A_395, %broadcast_in_dim3A_398, %broadcast_in_dim3A_399 : vector<16xi1>, vector<16xf32>
        %swap3A_401 = arith.constant 10 : i32
        %swap3A_402 = arith.index_cast %swap3A_401 : i32 to index
        %swap3A_403 = arith.constant 0 : index
        %swap3A_404 = tpu.vector_load %arg12[%swap3A_402, %swap3A_403] {strides = array<i32>} : memref<16x32xf32, #tpu.memory_space<vmem>>, vector<16xf32>,
        tpu.vector_store %arg12[%swap3A_402, %swap3A_403], %select_n3A_393 {strides = array<i32>} : memref<16x32xf32, #tpu.memory_space<vmem>>, vector<16xf32>,
        %swap3A_405 = arith.constant 10 : i32
        %swap3A_406 = arith.index_cast %swap3A_405 : i32 to index
        %swap3A_407 = arith.constant 16 : index
        %swap3A_408 = tpu.vector_load %arg12[%swap3A_406, %swap3A_407] {strides = array<i32>} : memref<16x32xf32, #tpu.memory_space<vmem>>, vector<16xf32>,
        tpu.vector_store %arg12[%swap3A_406, %swap3A_407], %select_n3A_400 {strides = array<i32>} : memref<16x32xf32, #tpu.memory_space<vmem>>, vector<16xf32>,
        %broadcast_in_dim3A_409 = arith.constant 0 : i32
        %broadcast_in_dim3A_410 = vector.broadcast %broadcast_in_dim3A_409 : i32 to vector<16xi32>
        %mul3A_411 = arith.constant 16 : i32
        %mul3A_412 = arith.muli %scan3A_26, %mul3A_411 : i32
        %add3A_413 = arith.constant 11 : i32
        %add3A_414 = arith.addi %mul3A_412, %add3A_413 : i32
        %add3A_415 = vector.broadcast %add3A_414 : i32 to vector<16xi32>
        %add3A_416 = arith.addi %broadcast_in_dim3A_410, %add3A_415 : vector<16xi32>
        %gather3A_417 = tpu.vector_load_idx %arg8[%add3A_416] : memref<400xi32, #tpu.memory_space<vmem>>[vector<16xi32>], vector<16xi32>,
        %gather3A_418 = tpu.vector_load_idx %arg10[%add3A_416] : memref<400xi32, #tpu.memory_space<vmem>>[vector<16xi32>], vector<16xi32>,
        %eq3A_419 = arith.constant 1 : i32
        %eq3A_420 = vector.broadcast %eq3A_419 : i32 to vector<16xi32>
        %eq3A_421 = arith.cmpi eq, %gather3A_418, %eq3A_420 : vector<16xi32>
        %eq3A_422 = arith.cmpi eq, %get3A_5, %gather3A_417 : vector<16xi32>
        %and3A_423 = arith.andi %eq3A_421, %eq3A_422 : vector<16xi1>
        %jit3A_424 = arith.constant 1.000000e+00 : f32
        %jit3A_425 = arith.constant 0.000000e+00 : f32
        %broadcast_in_dim3A_426 = vector.broadcast %jit3A_424 : f32 to vector<16xf32>
        %broadcast_in_dim3A_427 = vector.broadcast %jit3A_425 : f32 to vector<16xf32>
        %select_n3A_428 = arith.select %and3A_423, %broadcast_in_dim3A_426, %broadcast_in_dim3A_427 : vector<16xi1>, vector<16xf32>
        %eq3A_429 = arith.cmpi eq, %get3A_7, %gather3A_417 : vector<16xi32>
        %and3A_430 = arith.andi %eq3A_421, %eq3A_429 : vector<16xi1>
        %jit3A_431 = arith.constant 1.000000e+00 : f32
        %jit3A_432 = arith.constant 0.000000e+00 : f32
        %broadcast_in_dim3A_433 = vector.broadcast %jit3A_431 : f32 to vector<16xf32>
        %broadcast_in_dim3A_434 = vector.broadcast %jit3A_432 : f32 to vector<16xf32>
        %select_n3A_435 = arith.select %and3A_430, %broadcast_in_dim3A_433, %broadcast_in_dim3A_434 : vector<16xi1>, vector<16xf32>
        %swap3A_436 = arith.constant 11 : i32
        %swap3A_437 = arith.index_cast %swap3A_436 : i32 to index
        %swap3A_438 = arith.constant 0 : index
        %swap3A_439 = tpu.vector_load %arg12[%swap3A_437, %swap3A_438] {strides = array<i32>} : memref<16x32xf32, #tpu.memory_space<vmem>>, vector<16xf32>,
        tpu.vector_store %arg12[%swap3A_437, %swap3A_438], %select_n3A_428 {strides = array<i32>} : memref<16x32xf32, #tpu.memory_space<vmem>>, vector<16xf32>,
        %swap3A_440 = arith.constant 11 : i32
        %swap3A_441 = arith.index_cast %swap3A_440 : i32 to index
        %swap3A_442 = arith.constant 16 : index
        %swap3A_443 = tpu.vector_load %arg12[%swap3A_441, %swap3A_442] {strides = array<i32>} : memref<16x32xf32, #tpu.memory_space<vmem>>, vector<16xf32>,
        tpu.vector_store %arg12[%swap3A_441, %swap3A_442], %select_n3A_435 {strides = array<i32>} : memref<16x32xf32, #tpu.memory_space<vmem>>, vector<16xf32>,
        %broadcast_in_dim3A_444 = arith.constant 0 : i32
        %broadcast_in_dim3A_445 = vector.broadcast %broadcast_in_dim3A_444 : i32 to vector<16xi32>
        %mul3A_446 = arith.constant 16 : i32
        %mul3A_447 = arith.muli %scan3A_26, %mul3A_446 : i32
        %add3A_448 = arith.constant 12 : i32
        %add3A_449 = arith.addi %mul3A_447, %add3A_448 : i32
        %add3A_450 = vector.broadcast %add3A_449 : i32 to vector<16xi32>
        %add3A_451 = arith.addi %broadcast_in_dim3A_445, %add3A_450 : vector<16xi32>
        %gather3A_452 = tpu.vector_load_idx %arg8[%add3A_451] : memref<400xi32, #tpu.memory_space<vmem>>[vector<16xi32>], vector<16xi32>,
        %gather3A_453 = tpu.vector_load_idx %arg10[%add3A_451] : memref<400xi32, #tpu.memory_space<vmem>>[vector<16xi32>], vector<16xi32>,
        %eq3A_454 = arith.constant 1 : i32
        %eq3A_455 = vector.broadcast %eq3A_454 : i32 to vector<16xi32>
        %eq3A_456 = arith.cmpi eq, %gather3A_453, %eq3A_455 : vector<16xi32>
        %eq3A_457 = arith.cmpi eq, %get3A_5, %gather3A_452 : vector<16xi32>
        %and3A_458 = arith.andi %eq3A_456, %eq3A_457 : vector<16xi1>
        %jit3A_459 = arith.constant 1.000000e+00 : f32
        %jit3A_460 = arith.constant 0.000000e+00 : f32
        %broadcast_in_dim3A_461 = vector.broadcast %jit3A_459 : f32 to vector<16xf32>
        %broadcast_in_dim3A_462 = vector.broadcast %jit3A_460 : f32 to vector<16xf32>
        %select_n3A_463 = arith.select %and3A_458, %broadcast_in_dim3A_461, %broadcast_in_dim3A_462 : vector<16xi1>, vector<16xf32>
        %eq3A_464 = arith.cmpi eq, %get3A_7, %gather3A_452 : vector<16xi32>
        %and3A_465 = arith.andi %eq3A_456, %eq3A_464 : vector<16xi1>
        %jit3A_466 = arith.constant 1.000000e+00 : f32
        %jit3A_467 = arith.constant 0.000000e+00 : f32
        %broadcast_in_dim3A_468 = vector.broadcast %jit3A_466 : f32 to vector<16xf32>
        %broadcast_in_dim3A_469 = vector.broadcast %jit3A_467 : f32 to vector<16xf32>
        %select_n3A_470 = arith.select %and3A_465, %broadcast_in_dim3A_468, %broadcast_in_dim3A_469 : vector<16xi1>, vector<16xf32>
        %swap3A_471 = arith.constant 12 : i32
        %swap3A_472 = arith.index_cast %swap3A_471 : i32 to index
        %swap3A_473 = arith.constant 0 : index
        %swap3A_474 = tpu.vector_load %arg12[%swap3A_472, %swap3A_473] {strides = array<i32>} : memref<16x32xf32, #tpu.memory_space<vmem>>, vector<16xf32>,
        tpu.vector_store %arg12[%swap3A_472, %swap3A_473], %select_n3A_463 {strides = array<i32>} : memref<16x32xf32, #tpu.memory_space<vmem>>, vector<16xf32>,
        %swap3A_475 = arith.constant 12 : i32
        %swap3A_476 = arith.index_cast %swap3A_475 : i32 to index
        %swap3A_477 = arith.constant 16 : index
        %swap3A_478 = tpu.vector_load %arg12[%swap3A_476, %swap3A_477] {strides = array<i32>} : memref<16x32xf32, #tpu.memory_space<vmem>>, vector<16xf32>,
        tpu.vector_store %arg12[%swap3A_476, %swap3A_477], %select_n3A_470 {strides = array<i32>} : memref<16x32xf32, #tpu.memory_space<vmem>>, vector<16xf32>,
        %broadcast_in_dim3A_479 = arith.constant 0 : i32
        %broadcast_in_dim3A_480 = vector.broadcast %broadcast_in_dim3A_479 : i32 to vector<16xi32>
        %mul3A_481 = arith.constant 16 : i32
        %mul3A_482 = arith.muli %scan3A_26, %mul3A_481 : i32
        %add3A_483 = arith.constant 13 : i32
        %add3A_484 = arith.addi %mul3A_482, %add3A_483 : i32
        %add3A_485 = vector.broadcast %add3A_484 : i32 to vector<16xi32>
        %add3A_486 = arith.addi %broadcast_in_dim3A_480, %add3A_485 : vector<16xi32>
        %gather3A_487 = tpu.vector_load_idx %arg8[%add3A_486] : memref<400xi32, #tpu.memory_space<vmem>>[vector<16xi32>], vector<16xi32>,
        %gather3A_488 = tpu.vector_load_idx %arg10[%add3A_486] : memref<400xi32, #tpu.memory_space<vmem>>[vector<16xi32>], vector<16xi32>,
        %eq3A_489 = arith.constant 1 : i32
        %eq3A_490 = vector.broadcast %eq3A_489 : i32 to vector<16xi32>
        %eq3A_491 = arith.cmpi eq, %gather3A_488, %eq3A_490 : vector<16xi32>
        %eq3A_492 = arith.cmpi eq, %get3A_5, %gather3A_487 : vector<16xi32>
        %and3A_493 = arith.andi %eq3A_491, %eq3A_492 : vector<16xi1>
        %jit3A_494 = arith.constant 1.000000e+00 : f32
        %jit3A_495 = arith.constant 0.000000e+00 : f32
        %broadcast_in_dim3A_496 = vector.broadcast %jit3A_494 : f32 to vector<16xf32>
        %broadcast_in_dim3A_497 = vector.broadcast %jit3A_495 : f32 to vector<16xf32>
        %select_n3A_498 = arith.select %and3A_493, %broadcast_in_dim3A_496, %broadcast_in_dim3A_497 : vector<16xi1>, vector<16xf32>
        %eq3A_499 = arith.cmpi eq, %get3A_7, %gather3A_487 : vector<16xi32>
        %and3A_500 = arith.andi %eq3A_491, %eq3A_499 : vector<16xi1>
        %jit3A_501 = arith.constant 1.000000e+00 : f32
        %jit3A_502 = arith.constant 0.000000e+00 : f32
        %broadcast_in_dim3A_503 = vector.broadcast %jit3A_501 : f32 to vector<16xf32>
        %broadcast_in_dim3A_504 = vector.broadcast %jit3A_502 : f32 to vector<16xf32>
        %select_n3A_505 = arith.select %and3A_500, %broadcast_in_dim3A_503, %broadcast_in_dim3A_504 : vector<16xi1>, vector<16xf32>
        %swap3A_506 = arith.constant 13 : i32
        %swap3A_507 = arith.index_cast %swap3A_506 : i32 to index
        %swap3A_508 = arith.constant 0 : index
        %swap3A_509 = tpu.vector_load %arg12[%swap3A_507, %swap3A_508] {strides = array<i32>} : memref<16x32xf32, #tpu.memory_space<vmem>>, vector<16xf32>,
        tpu.vector_store %arg12[%swap3A_507, %swap3A_508], %select_n3A_498 {strides = array<i32>} : memref<16x32xf32, #tpu.memory_space<vmem>>, vector<16xf32>,
        %swap3A_510 = arith.constant 13 : i32
        %swap3A_511 = arith.index_cast %swap3A_510 : i32 to index
        %swap3A_512 = arith.constant 16 : index
        %swap3A_513 = tpu.vector_load %arg12[%swap3A_511, %swap3A_512] {strides = array<i32>} : memref<16x32xf32, #tpu.memory_space<vmem>>, vector<16xf32>,
        tpu.vector_store %arg12[%swap3A_511, %swap3A_512], %select_n3A_505 {strides = array<i32>} : memref<16x32xf32, #tpu.memory_space<vmem>>, vector<16xf32>,
        %broadcast_in_dim3A_514 = arith.constant 0 : i32
        %broadcast_in_dim3A_515 = vector.broadcast %broadcast_in_dim3A_514 : i32 to vector<16xi32>
        %mul3A_516 = arith.constant 16 : i32
        %mul3A_517 = arith.muli %scan3A_26, %mul3A_516 : i32
        %add3A_518 = arith.constant 14 : i32
        %add3A_519 = arith.addi %mul3A_517, %add3A_518 : i32
        %add3A_520 = vector.broadcast %add3A_519 : i32 to vector<16xi32>
        %add3A_521 = arith.addi %broadcast_in_dim3A_515, %add3A_520 : vector<16xi32>
        %gather3A_522 = tpu.vector_load_idx %arg8[%add3A_521] : memref<400xi32, #tpu.memory_space<vmem>>[vector<16xi32>], vector<16xi32>,
        %gather3A_523 = tpu.vector_load_idx %arg10[%add3A_521] : memref<400xi32, #tpu.memory_space<vmem>>[vector<16xi32>], vector<16xi32>,
        %eq3A_524 = arith.constant 1 : i32
        %eq3A_525 = vector.broadcast %eq3A_524 : i32 to vector<16xi32>
        %eq3A_526 = arith.cmpi eq, %gather3A_523, %eq3A_525 : vector<16xi32>
        %eq3A_527 = arith.cmpi eq, %get3A_5, %gather3A_522 : vector<16xi32>
        %and3A_528 = arith.andi %eq3A_526, %eq3A_527 : vector<16xi1>
        %jit3A_529 = arith.constant 1.000000e+00 : f32
        %jit3A_530 = arith.constant 0.000000e+00 : f32
        %broadcast_in_dim3A_531 = vector.broadcast %jit3A_529 : f32 to vector<16xf32>
        %broadcast_in_dim3A_532 = vector.broadcast %jit3A_530 : f32 to vector<16xf32>
        %select_n3A_533 = arith.select %and3A_528, %broadcast_in_dim3A_531, %broadcast_in_dim3A_532 : vector<16xi1>, vector<16xf32>
        %eq3A_534 = arith.cmpi eq, %get3A_7, %gather3A_522 : vector<16xi32>
        %and3A_535 = arith.andi %eq3A_526, %eq3A_534 : vector<16xi1>
        %jit3A_536 = arith.constant 1.000000e+00 : f32
        %jit3A_537 = arith.constant 0.000000e+00 : f32
        %broadcast_in_dim3A_538 = vector.broadcast %jit3A_536 : f32 to vector<16xf32>
        %broadcast_in_dim3A_539 = vector.broadcast %jit3A_537 : f32 to vector<16xf32>
        %select_n3A_540 = arith.select %and3A_535, %broadcast_in_dim3A_538, %broadcast_in_dim3A_539 : vector<16xi1>, vector<16xf32>
        %swap3A_541 = arith.constant 14 : i32
        %swap3A_542 = arith.index_cast %swap3A_541 : i32 to index
        %swap3A_543 = arith.constant 0 : index
        %swap3A_544 = tpu.vector_load %arg12[%swap3A_542, %swap3A_543] {strides = array<i32>} : memref<16x32xf32, #tpu.memory_space<vmem>>, vector<16xf32>,
        tpu.vector_store %arg12[%swap3A_542, %swap3A_543], %select_n3A_533 {strides = array<i32>} : memref<16x32xf32, #tpu.memory_space<vmem>>, vector<16xf32>,
        %swap3A_545 = arith.constant 14 : i32
        %swap3A_546 = arith.index_cast %swap3A_545 : i32 to index
        %swap3A_547 = arith.constant 16 : index
        %swap3A_548 = tpu.vector_load %arg12[%swap3A_546, %swap3A_547] {strides = array<i32>} : memref<16x32xf32, #tpu.memory_space<vmem>>, vector<16xf32>,
        tpu.vector_store %arg12[%swap3A_546, %swap3A_547], %select_n3A_540 {strides = array<i32>} : memref<16x32xf32, #tpu.memory_space<vmem>>, vector<16xf32>,
        %broadcast_in_dim3A_549 = arith.constant 0 : i32
        %broadcast_in_dim3A_550 = vector.broadcast %broadcast_in_dim3A_549 : i32 to vector<16xi32>
        %mul3A_551 = arith.constant 16 : i32
        %mul3A_552 = arith.muli %scan3A_26, %mul3A_551 : i32
        %add3A_553 = arith.constant 15 : i32
        %add3A_554 = arith.addi %mul3A_552, %add3A_553 : i32
        %add3A_555 = vector.broadcast %add3A_554 : i32 to vector<16xi32>
        %add3A_556 = arith.addi %broadcast_in_dim3A_550, %add3A_555 : vector<16xi32>
        %gather3A_557 = tpu.vector_load_idx %arg8[%add3A_556] : memref<400xi32, #tpu.memory_space<vmem>>[vector<16xi32>], vector<16xi32>,
        %gather3A_558 = tpu.vector_load_idx %arg10[%add3A_556] : memref<400xi32, #tpu.memory_space<vmem>>[vector<16xi32>], vector<16xi32>,
        %eq3A_559 = arith.constant 1 : i32
        %eq3A_560 = vector.broadcast %eq3A_559 : i32 to vector<16xi32>
        %eq3A_561 = arith.cmpi eq, %gather3A_558, %eq3A_560 : vector<16xi32>
        %eq3A_562 = arith.cmpi eq, %get3A_5, %gather3A_557 : vector<16xi32>
        %and3A_563 = arith.andi %eq3A_561, %eq3A_562 : vector<16xi1>
        %jit3A_564 = arith.constant 1.000000e+00 : f32
        %jit3A_565 = arith.constant 0.000000e+00 : f32
        %broadcast_in_dim3A_566 = vector.broadcast %jit3A_564 : f32 to vector<16xf32>
        %broadcast_in_dim3A_567 = vector.broadcast %jit3A_565 : f32 to vector<16xf32>
        %select_n3A_568 = arith.select %and3A_563, %broadcast_in_dim3A_566, %broadcast_in_dim3A_567 : vector<16xi1>, vector<16xf32>
        %eq3A_569 = arith.cmpi eq, %get3A_7, %gather3A_557 : vector<16xi32>
        %and3A_570 = arith.andi %eq3A_561, %eq3A_569 : vector<16xi1>
        %jit3A_571 = arith.constant 1.000000e+00 : f32
        %jit3A_572 = arith.constant 0.000000e+00 : f32
        %broadcast_in_dim3A_573 = vector.broadcast %jit3A_571 : f32 to vector<16xf32>
        %broadcast_in_dim3A_574 = vector.broadcast %jit3A_572 : f32 to vector<16xf32>
        %select_n3A_575 = arith.select %and3A_570, %broadcast_in_dim3A_573, %broadcast_in_dim3A_574 : vector<16xi1>, vector<16xf32>
        %swap3A_576 = arith.constant 15 : i32
        %swap3A_577 = arith.index_cast %swap3A_576 : i32 to index
        %swap3A_578 = arith.constant 0 : index
        %swap3A_579 = tpu.vector_load %arg12[%swap3A_577, %swap3A_578] {strides = array<i32>} : memref<16x32xf32, #tpu.memory_space<vmem>>, vector<16xf32>,
        tpu.vector_store %arg12[%swap3A_577, %swap3A_578], %select_n3A_568 {strides = array<i32>} : memref<16x32xf32, #tpu.memory_space<vmem>>, vector<16xf32>,
        %swap3A_580 = arith.constant 15 : i32
        %swap3A_581 = arith.index_cast %swap3A_580 : i32 to index
        %swap3A_582 = arith.constant 16 : index
        %swap3A_583 = tpu.vector_load %arg12[%swap3A_581, %swap3A_582] {strides = array<i32>} : memref<16x32xf32, #tpu.memory_space<vmem>>, vector<16xf32>,
        tpu.vector_store %arg12[%swap3A_581, %swap3A_582], %select_n3A_575 {strides = array<i32>} : memref<16x32xf32, #tpu.memory_space<vmem>>, vector<16xf32>,
        "tpu.region"() ({
          %run_scoped3A = tpu.sem_alloc : memref<!tpu.dma_semaphore, #tpu.memory_space<semaphore_mem>>
          %dma_start3A = arith.constant 0 : i32
          %dma_start3A_584 = arith.constant 0 : i32
          %dma_start3A_585 = tpu.memref_slice %arg13[%dma_start3A, %dma_start3A_584] : memref<50048x32xf32, #tpu.memory_space<vmem_shared>> -> memref<50048x32xf32, #tpu.memory_space<vmem_shared>>
          tpu.enqueue_indirect_dma source(%arg12 : memref<16x32xf32, #tpu.memory_space<vmem>>) target(%dma_start3A_585 : memref<50048x32xf32, #tpu.memory_space<vmem_shared>>) offsets(%get3A_30 : vector<16xi32>) semaphore(%run_scoped3A : memref<!tpu.dma_semaphore, #tpu.memory_space<semaphore_mem>>) {add = true}
          %dma_wait3A = arith.constant 0 : i32
          %dma_wait3A_586 = arith.constant 0 : i32
          %dma_wait3A_587 = tpu.memref_slice %arg13[%dma_wait3A, %dma_wait3A_586] : memref<50048x32xf32, #tpu.memory_space<vmem_shared>> -> memref<50048x32xf32, #tpu.memory_space<vmem_shared>>
          tpu.wait_indirect_dma semaphore(%run_scoped3A : memref<!tpu.dma_semaphore, #tpu.memory_space<semaphore_mem>>) src(%arg12 : memref<16x32xf32, #tpu.memory_space<vmem>>) dst(%dma_wait3A_587 : memref<50048x32xf32, #tpu.memory_space<vmem_shared>>)
          tpu.yield
        }) : () -> ()
      }
      %scan3A_25 = arith.constant 25 : i32
    }
    %scan3A_12 = arith.constant 125 : i32
    %barrier3A_13 = arith.constant 0 : index
    tpu.barrier barrier_id(%barrier3A_13)
    %mul3A_14 = arith.constant 50048 : i32
    %mul3A_15 = arith.muli %arg0, %mul3A_14 : i32
    %add3A_16 = arith.addi %mul3A_15, %mul3A_4 : i32
    "tpu.region"() ({
      %run_scoped3A = tpu.sem_alloc : memref<!tpu.dma_semaphore, #tpu.memory_space<semaphore_mem>>
      %dma_start3A = arith.constant 0 : i32
      %dma_start3A_17 = tpu.memref_slice %arg7[%add3A_16, %dma_start3A] : memref<100096x32xf32, #tpu.memory_space<hbm>> -> memref<3128x32xf32, #tpu.memory_space<hbm>>
      %dma_start3A_18 = arith.constant 0 : i32
      %dma_start3A_19 = tpu.memref_slice %arg13[%mul3A_4, %dma_start3A_18] : memref<50048x32xf32, #tpu.memory_space<vmem_shared>> -> memref<3128x32xf32, #tpu.memory_space<vmem_shared>>
      tpu.enqueue_dma source(%dma_start3A_19 : memref<3128x32xf32, #tpu.memory_space<vmem_shared>>) target(%dma_start3A_17 : memref<3128x32xf32, #tpu.memory_space<hbm>>) target_semaphore(%run_scoped3A : memref<!tpu.dma_semaphore, #tpu.memory_space<semaphore_mem>>)
      %dma_wait3A = arith.constant 0 : i32
      %dma_wait3A_20 = tpu.memref_slice %arg7[%add3A_16, %dma_wait3A] : memref<100096x32xf32, #tpu.memory_space<hbm>> -> memref<3128x32xf32, #tpu.memory_space<hbm>>
      %dma_wait3A_21 = arith.constant 0 : i32
      %dma_wait3A_22 = tpu.memref_slice %arg13[%mul3A_4, %dma_wait3A_21] : memref<50048x32xf32, #tpu.memory_space<vmem_shared>> -> memref<3128x32xf32, #tpu.memory_space<vmem_shared>>
      tpu.wait_dma2 semaphore(%run_scoped3A : memref<!tpu.dma_semaphore, #tpu.memory_space<semaphore_mem>>) src(%dma_wait3A_22 : memref<3128x32xf32, #tpu.memory_space<vmem_shared>>) dst(%dma_wait3A_20 : memref<3128x32xf32, #tpu.memory_space<hbm>>)
      tpu.yield
    }) : () -> ()
    return
  }
}

#map = affine_map<(d0, d1) -> (0)>
#map1 = affine_map<(d0, d1) -> (0, 0)>
module attributes {stable_mosaic.version = 14 : i64} {
  func.func @_hop2_body(%arg0: i32, %arg1: i32, %arg2: memref<1600000xi32, #tpu.memory_space<hbm>>, %arg3: memref<1600000xi32, #tpu.memory_space<hbm>>, %arg4: memref<1600000xi32, #tpu.memory_space<hbm>>, %arg5: memref<50048x32xf32, #tpu.memory_space<hbm>>, %arg6: memref<50048x32xf32, #tpu.memory_space<hbm>>, %arg7: memref<100096x32xf32, #tpu.memory_space<hbm>>, %arg8: memref<400xi32, #tpu.memory_space<vmem>>, %arg9: memref<400xi32, #tpu.memory_space<vmem>>, %arg10: memref<400xi32, #tpu.memory_space<vmem>>, %arg11: memref<400xi32, #tpu.memory_space<vmem>>, %arg12: memref<400x32xf32, #tpu.memory_space<vmem>>, %arg13: memref<!tpu.dma_semaphore, #tpu.memory_space<semaphore_mem>>, %arg14: memref<50048x32xf32, #tpu.memory_space<vmem_shared>>) attributes {dimension_semantics = [#tpu.dimension_semantics<core_parallel>, #tpu.dimension_semantics<subcore_parallel>], iteration_bounds = array<i64: 2, 16>, scalar_prefetch = 0 : i64, scratch_operands = 7 : i64, tpu.core_type = #tpu.core_type<sc_vector_subcore>, window_params = [{transform_indices = #map}, {transform_indices = #map}, {transform_indices = #map}, {transform_indices = #map1}, {transform_indices = #map1}, {transform_indices = #map1}]} {
    %mul3A = arith.constant 2 : i32
    %mul3A_0 = arith.muli %arg1, %mul3A : i32
    %add3A = arith.addi %mul3A_0, %arg0 : i32
    %mul3A_1 = arith.constant 50000 : i32
    %mul3A_2 = arith.muli %add3A, %mul3A_1 : i32
    %mul3A_3 = arith.constant 3128 : i32
    %mul3A_4 = arith.muli %arg1, %mul3A_3 : i32
    "tpu.region"() ({
      %run_scoped3A = tpu.sem_alloc : memref<!tpu.dma_semaphore, #tpu.memory_space<semaphore_mem>>
      %dma_start3A = arith.constant 0 : i32
      %dma_start3A_14 = tpu.memref_slice %arg14[%mul3A_4, %dma_start3A] : memref<50048x32xf32, #tpu.memory_space<vmem_shared>> -> memref<3128x32xf32, #tpu.memory_space<vmem_shared>>
      %dma_start3A_15 = arith.constant 0 : i32
      %dma_start3A_16 = tpu.memref_slice %arg6[%mul3A_4, %dma_start3A_15] : memref<50048x32xf32, #tpu.memory_space<hbm>> -> memref<3128x32xf32, #tpu.memory_space<hbm>>
      tpu.enqueue_dma source(%dma_start3A_16 : memref<3128x32xf32, #tpu.memory_space<hbm>>) target(%dma_start3A_14 : memref<3128x32xf32, #tpu.memory_space<vmem_shared>>) target_semaphore(%run_scoped3A : memref<!tpu.dma_semaphore, #tpu.memory_space<semaphore_mem>>)
      %dma_wait3A = arith.constant 0 : i32
      %dma_wait3A_17 = tpu.memref_slice %arg14[%mul3A_4, %dma_wait3A] : memref<50048x32xf32, #tpu.memory_space<vmem_shared>> -> memref<3128x32xf32, #tpu.memory_space<vmem_shared>>
      %dma_wait3A_18 = arith.constant 0 : i32
      %dma_wait3A_19 = tpu.memref_slice %arg6[%mul3A_4, %dma_wait3A_18] : memref<50048x32xf32, #tpu.memory_space<hbm>> -> memref<3128x32xf32, #tpu.memory_space<hbm>>
      tpu.wait_dma2 semaphore(%run_scoped3A : memref<!tpu.dma_semaphore, #tpu.memory_space<semaphore_mem>>) src(%dma_wait3A_19 : memref<3128x32xf32, #tpu.memory_space<hbm>>) dst(%dma_wait3A_17 : memref<3128x32xf32, #tpu.memory_space<vmem_shared>>)
      tpu.yield
    }) : () -> ()
    %barrier3A = arith.constant 0 : index
    tpu.barrier barrier_id(%barrier3A)
    %scan3A = arith.constant 0 : i32
    %scan3A_5 = arith.constant 0 : i32
    %scan3A_6 = arith.constant 125 : i32
    %scan3A_7 = arith.addi %scan3A_5, %scan3A_6 : i32
    %scan3A_8 = arith.constant 1 : i32
    scf.for %scan3A_14 = %scan3A_5 to %scan3A_7 step %scan3A_8  : i32 {
      %mul3A_15 = arith.constant 400 : i32
      %mul3A_16 = arith.muli %scan3A_14, %mul3A_15 : i32
      %add3A_17 = arith.addi %mul3A_2, %mul3A_16 : i32
      "tpu.region"() ({
        %run_scoped3A = tpu.sem_alloc : memref<!tpu.dma_semaphore, #tpu.memory_space<semaphore_mem>>
        %dma_start3A_28 = tpu.memref_slice %arg2[%add3A_17] : memref<1600000xi32, #tpu.memory_space<hbm>> -> memref<400xi32, #tpu.memory_space<hbm>>
        %dma_start3A_29 = tpu.memref_slice %arg2[%add3A_17] : memref<1600000xi32, #tpu.memory_space<hbm>> -> memref<400xi32, #tpu.memory_space<hbm>>
        tpu.enqueue_dma source(%dma_start3A_29 : memref<400xi32, #tpu.memory_space<hbm>>) target(%arg8 : memref<400xi32, #tpu.memory_space<vmem>>) target_semaphore(%run_scoped3A : memref<!tpu.dma_semaphore, #tpu.memory_space<semaphore_mem>>)
        %dma_wait3A_30 = tpu.memref_slice %arg2[%add3A_17] : memref<1600000xi32, #tpu.memory_space<hbm>> -> memref<400xi32, #tpu.memory_space<hbm>>
        %dma_wait3A_31 = tpu.memref_slice %arg2[%add3A_17] : memref<1600000xi32, #tpu.memory_space<hbm>> -> memref<400xi32, #tpu.memory_space<hbm>>
        tpu.wait_dma2 semaphore(%run_scoped3A : memref<!tpu.dma_semaphore, #tpu.memory_space<semaphore_mem>>) src(%dma_wait3A_31 : memref<400xi32, #tpu.memory_space<hbm>>) dst(%arg8 : memref<400xi32, #tpu.memory_space<vmem>>)
        tpu.yield
      }) : () -> ()
      "tpu.region"() ({
        %run_scoped3A = tpu.sem_alloc : memref<!tpu.dma_semaphore, #tpu.memory_space<semaphore_mem>>
        %dma_start3A_28 = tpu.memref_slice %arg3[%add3A_17] : memref<1600000xi32, #tpu.memory_space<hbm>> -> memref<400xi32, #tpu.memory_space<hbm>>
        %dma_start3A_29 = tpu.memref_slice %arg3[%add3A_17] : memref<1600000xi32, #tpu.memory_space<hbm>> -> memref<400xi32, #tpu.memory_space<hbm>>
        tpu.enqueue_dma source(%dma_start3A_29 : memref<400xi32, #tpu.memory_space<hbm>>) target(%arg9 : memref<400xi32, #tpu.memory_space<vmem>>) target_semaphore(%run_scoped3A : memref<!tpu.dma_semaphore, #tpu.memory_space<semaphore_mem>>)
        %dma_wait3A_30 = tpu.memref_slice %arg3[%add3A_17] : memref<1600000xi32, #tpu.memory_space<hbm>> -> memref<400xi32, #tpu.memory_space<hbm>>
        %dma_wait3A_31 = tpu.memref_slice %arg3[%add3A_17] : memref<1600000xi32, #tpu.memory_space<hbm>> -> memref<400xi32, #tpu.memory_space<hbm>>
        tpu.wait_dma2 semaphore(%run_scoped3A : memref<!tpu.dma_semaphore, #tpu.memory_space<semaphore_mem>>) src(%dma_wait3A_31 : memref<400xi32, #tpu.memory_space<hbm>>) dst(%arg9 : memref<400xi32, #tpu.memory_space<vmem>>)
        tpu.yield
      }) : () -> ()
      "tpu.region"() ({
        %run_scoped3A = tpu.sem_alloc : memref<!tpu.dma_semaphore, #tpu.memory_space<semaphore_mem>>
        %dma_start3A_28 = tpu.memref_slice %arg4[%add3A_17] : memref<1600000xi32, #tpu.memory_space<hbm>> -> memref<400xi32, #tpu.memory_space<hbm>>
        %dma_start3A_29 = tpu.memref_slice %arg4[%add3A_17] : memref<1600000xi32, #tpu.memory_space<hbm>> -> memref<400xi32, #tpu.memory_space<hbm>>
        tpu.enqueue_dma source(%dma_start3A_29 : memref<400xi32, #tpu.memory_space<hbm>>) target(%arg10 : memref<400xi32, #tpu.memory_space<vmem>>) target_semaphore(%run_scoped3A : memref<!tpu.dma_semaphore, #tpu.memory_space<semaphore_mem>>)
        %dma_wait3A_30 = tpu.memref_slice %arg4[%add3A_17] : memref<1600000xi32, #tpu.memory_space<hbm>> -> memref<400xi32, #tpu.memory_space<hbm>>
        %dma_wait3A_31 = tpu.memref_slice %arg4[%add3A_17] : memref<1600000xi32, #tpu.memory_space<hbm>> -> memref<400xi32, #tpu.memory_space<hbm>>
        tpu.wait_dma2 semaphore(%run_scoped3A : memref<!tpu.dma_semaphore, #tpu.memory_space<semaphore_mem>>) src(%dma_wait3A_31 : memref<400xi32, #tpu.memory_space<hbm>>) dst(%arg10 : memref<400xi32, #tpu.memory_space<vmem>>)
        tpu.yield
      }) : () -> ()
      %scan3A_18 = arith.constant 0 : i32
      %scan3A_19 = arith.constant 0 : i32
      %scan3A_20 = arith.constant 25 : i32
      %scan3A_21 = arith.addi %scan3A_19, %scan3A_20 : i32
      %scan3A_22 = arith.constant 1 : i32
      scf.for %scan3A_28 = %scan3A_19 to %scan3A_21 step %scan3A_22  : i32 {
        %mul3A_29 = arith.constant 16 : i32
        %mul3A_30 = arith.muli %scan3A_28, %mul3A_29 : i32
        %get3A = arith.index_cast %mul3A_30 : i32 to index
        %get3A_31 = tpu.vector_load %arg8[%get3A] {strides = array<i32>} : memref<400xi32, #tpu.memory_space<vmem>>, vector<16xi32>,
        %mul3A_32 = arith.constant 16 : i32
        %mul3A_33 = arith.muli %scan3A_28, %mul3A_32 : i32
        %get3A_34 = arith.index_cast %mul3A_33 : i32 to index
        %get3A_35 = tpu.vector_load %arg10[%get3A_34] {strides = array<i32>} : memref<400xi32, #tpu.memory_space<vmem>>, vector<16xi32>,
        %eq3A = arith.constant 2 : i32
        %eq3A_36 = vector.broadcast %eq3A : i32 to vector<16xi32>
        %eq3A_37 = arith.cmpi eq, %get3A_35, %eq3A_36 : vector<16xi32>
        %jit3A = arith.constant 50000 : i32
        %broadcast_in_dim3A = vector.broadcast %jit3A : i32 to vector<16xi32>
        %select_n3A = arith.select %eq3A_37, %get3A_31, %broadcast_in_dim3A : vector<16xi1>, vector<16xi32>
        %mul3A_38 = arith.constant 16 : i32
        %mul3A_39 = arith.muli %scan3A_28, %mul3A_38 : i32
        %swap3A = arith.index_cast %mul3A_39 : i32 to index
        %swap3A_40 = tpu.vector_load %arg11[%swap3A] {strides = array<i32>} : memref<400xi32, #tpu.memory_space<vmem>>, vector<16xi32>,
        tpu.vector_store %arg11[%swap3A], %select_n3A {strides = array<i32>} : memref<400xi32, #tpu.memory_space<vmem>>, vector<16xi32>,
      }
      %scan3A_23 = arith.constant 25 : i32
      %dma_start3A = arith.constant 0 : i32
      %dma_start3A_24 = arith.constant 0 : i32
      %dma_start3A_25 = tpu.memref_slice %arg5[%dma_start3A, %dma_start3A_24] : memref<50048x32xf32, #tpu.memory_space<hbm>> -> memref<50048x32xf32, #tpu.memory_space<hbm>>
      tpu.enqueue_indirect_dma source(%dma_start3A_25 : memref<50048x32xf32, #tpu.memory_space<hbm>>) target(%arg12 : memref<400x32xf32, #tpu.memory_space<vmem>>) offsets(%arg11 : memref<400xi32, #tpu.memory_space<vmem>>) semaphore(%arg13 : memref<!tpu.dma_semaphore, #tpu.memory_space<semaphore_mem>>)
      %dma_wait3A = arith.constant 0 : i32
      %dma_wait3A_26 = arith.constant 0 : i32
      %dma_wait3A_27 = tpu.memref_slice %arg5[%dma_wait3A, %dma_wait3A_26] : memref<50048x32xf32, #tpu.memory_space<hbm>> -> memref<50048x32xf32, #tpu.memory_space<hbm>>
      tpu.wait_indirect_dma semaphore(%arg13 : memref<!tpu.dma_semaphore, #tpu.memory_space<semaphore_mem>>) src(%dma_wait3A_27 : memref<50048x32xf32, #tpu.memory_space<hbm>>) dst(%arg12 : memref<400x32xf32, #tpu.memory_space<vmem>>)
      "tpu.region"() ({
        %run_scoped3A = tpu.sem_alloc : memref<!tpu.dma_semaphore, #tpu.memory_space<semaphore_mem>>
        %dma_start3A_28 = arith.constant 0 : i32
        %dma_start3A_29 = arith.constant 0 : i32
        %dma_start3A_30 = tpu.memref_slice %arg14[%dma_start3A_28, %dma_start3A_29] : memref<50048x32xf32, #tpu.memory_space<vmem_shared>> -> memref<50048x32xf32, #tpu.memory_space<vmem_shared>>
        tpu.enqueue_indirect_dma source(%arg12 : memref<400x32xf32, #tpu.memory_space<vmem>>) target(%dma_start3A_30 : memref<50048x32xf32, #tpu.memory_space<vmem_shared>>) offsets(%arg9 : memref<400xi32, #tpu.memory_space<vmem>>) semaphore(%run_scoped3A : memref<!tpu.dma_semaphore, #tpu.memory_space<semaphore_mem>>) {add = true}
        %dma_wait3A_31 = arith.constant 0 : i32
        %dma_wait3A_32 = arith.constant 0 : i32
        %dma_wait3A_33 = tpu.memref_slice %arg14[%dma_wait3A_31, %dma_wait3A_32] : memref<50048x32xf32, #tpu.memory_space<vmem_shared>> -> memref<50048x32xf32, #tpu.memory_space<vmem_shared>>
        tpu.wait_indirect_dma semaphore(%run_scoped3A : memref<!tpu.dma_semaphore, #tpu.memory_space<semaphore_mem>>) src(%arg12 : memref<400x32xf32, #tpu.memory_space<vmem>>) dst(%dma_wait3A_33 : memref<50048x32xf32, #tpu.memory_space<vmem_shared>>)
        tpu.yield
      }) : () -> ()
    }
    %scan3A_9 = arith.constant 125 : i32
    %barrier3A_10 = arith.constant 0 : index
    tpu.barrier barrier_id(%barrier3A_10)
    %mul3A_11 = arith.constant 50048 : i32
    %mul3A_12 = arith.muli %arg0, %mul3A_11 : i32
    %add3A_13 = arith.addi %mul3A_12, %mul3A_4 : i32
    "tpu.region"() ({
      %run_scoped3A = tpu.sem_alloc : memref<!tpu.dma_semaphore, #tpu.memory_space<semaphore_mem>>
      %dma_start3A = arith.constant 0 : i32
      %dma_start3A_14 = tpu.memref_slice %arg7[%add3A_13, %dma_start3A] : memref<100096x32xf32, #tpu.memory_space<hbm>> -> memref<3128x32xf32, #tpu.memory_space<hbm>>
      %dma_start3A_15 = arith.constant 0 : i32
      %dma_start3A_16 = tpu.memref_slice %arg14[%mul3A_4, %dma_start3A_15] : memref<50048x32xf32, #tpu.memory_space<vmem_shared>> -> memref<3128x32xf32, #tpu.memory_space<vmem_shared>>
      tpu.enqueue_dma source(%dma_start3A_16 : memref<3128x32xf32, #tpu.memory_space<vmem_shared>>) target(%dma_start3A_14 : memref<3128x32xf32, #tpu.memory_space<hbm>>) target_semaphore(%run_scoped3A : memref<!tpu.dma_semaphore, #tpu.memory_space<semaphore_mem>>)
      %dma_wait3A = arith.constant 0 : i32
      %dma_wait3A_17 = tpu.memref_slice %arg7[%add3A_13, %dma_wait3A] : memref<100096x32xf32, #tpu.memory_space<hbm>> -> memref<3128x32xf32, #tpu.memory_space<hbm>>
      %dma_wait3A_18 = arith.constant 0 : i32
      %dma_wait3A_19 = tpu.memref_slice %arg14[%mul3A_4, %dma_wait3A_18] : memref<50048x32xf32, #tpu.memory_space<vmem_shared>> -> memref<3128x32xf32, #tpu.memory_space<vmem_shared>>
      tpu.wait_dma2 semaphore(%run_scoped3A : memref<!tpu.dma_semaphore, #tpu.memory_space<semaphore_mem>>) src(%dma_wait3A_19 : memref<3128x32xf32, #tpu.memory_space<vmem_shared>>) dst(%dma_wait3A_17 : memref<3128x32xf32, #tpu.memory_space<hbm>>)
      tpu.yield
    }) : () -> ()
    return
  }
}

</mosaic_0001>

<sc_bundles>
// kernel: kernel.4.cloned.1.call-start
scs
__scs_entry_jumppad:
0x0: {  	(pc) =	sbr.rel $0x88, $3  }
0x1: {  	(tag) =	ssettag $0x0;
	lr =	simm.s32 $0x1  }
0x2: {  	[smem:$0x3F9C] =	sst lr;
	_ =	strace $0xD0000000  }
0x3: {  	_ = 	snop  }
0x4: {  	_ = 	snop  }
0x5: {  	_ = 	snop  }
0x6: {  	_ = 	snop  }
0x7: {  	_ = 	snop  }
__scs_overlays_trampoline_lowered:
0x8: {  	[smem:$0x3FAB] =	sst s0  }
0x9: {  	[smem:$0x3FAC] =	sst s1  }
0xa: {  	[smem:$0x3FAD] =	sst s2  }
0xb: {  	[smem:$0x3FAE] =	sst s3  }
0xc: {  	[smem:$0x3FAF] =	sst s4  }
0xd: {  	[smem:$0x3FB0] =	sst s5  }
0xe: {  	[smem:$0x3FB1] =	sst s6  }
0xf: {  	[smem:$0x3FB2] =	sst s7  }
0x10: {  	[smem:$0x3FB3] =	sst s8  }
0x11: {  	[smem:$0x3FB4] =	sst s9;
	s0 =	simm.s32 @!p0 $0x0  }
0x12: {  	s1 =	sld [smem:$0x3F9A];
	s0 =	simm.s32 @p0 $0x1  }
0x13: {  	[smem:$0x3FB5] =	sst s0;
	s0 =	simm.s32 @!p1 $0x0  }
0x14: {  	s2 =	sld [smem:$0x3F99];
	s0 =	simm.s32 @p1 $0x1  }
0x15: {  	[smem:$0x3FB6] =	sst s0;
	s0 =	simm.s32 @!p2 $0x0  }
0x16: {  	s3 =	sld [smem:$0x3FDB];
	s0 =	simm.s32 @p2 $0x1  }
0x17: {  	s4 =	simm.s32 $0x1BF5;
	[smem:$0x3FB8] =	sst s0  }
0x18: {  	s0 =	sld [smem:$0x3F9B];
	_ =	swait.ge [sflag:s4], $0x0  }
0x19: {  	s7 =	sld [smem:$0x3F9C]  }
0x1a: {  	s8 =	sadd.s32 $0xFFFFE003, lr  }
0x1b: {  	s9 =	sadd.s32 $0xFFFFFEF7, lr;
	s5 =	simm.s32 $0xFFFFFFFF;
	p2 =	slt.u32 s8, $0xFFFFF086  }
0x1c: {  	p1 =	slt.u32 s9, $0xF7A;
	s5 =	simm.s32 @!p2 $0x0  }
0x1d: {  	s5 =	simm.s32 @p1 $0x1;
	p0 =	seq.s32 s7, s2  }
0x1e: {  	s7 =	smul.u32 @!p0 $0xF7A, s2;
	p2 =	seq.s32 @!p0 s5, $0x0  }
0x1f: {  	s9 =	smul.u32 $0xF7A, s1;
	s8 =	simm.s32 @!p0 $0x1BF5;
	p2 =	por !p2, p0  }
0x20: {  	[sflag:s8] =	ssyncset.s32 @!p0 $0xFFFFF086;
	s6 =	sadd.s32 @!p0 s3, s7;
	s7 =	simm.s32 @!p0 $0x108  }
0x21: {  	s3 =	sadd.s32 s3, s9;
	s6 =	sadd.s32 @!p0 $0x88, s6;
	s7 =	simm.s32 @p2 $0x1082  }
0x22: {  	[simem:s7], [sflag:s8] =	dma.local @!p0 [hbm:s6], $0xF7A  }
0x23: {  	s9 =	sor.u32 $0xD0000000, s2;
	s6 =	simm.s32 $0x108;
	_ =	swait.ge @!p0 [sflag:s8], $0x0  }
0x24: {  	s3 =	sadd.s32 $0x88, s3;
	s6 =	simm.s32 @!p1 $0x1082;
	[sflag:s4] =	ssyncset.s32 $0xFFFFF086  }
0x25: {  	[simem:s6], [sflag:s4] =	dma.local [hbm:s3], $0xF7A  }
0x26: {  	[smem:$0x3F9C] =	sst s1;
	(tag) =	ssettag s2;
	_ =	strace s9  }
0x27: {  	s1 =	sld [smem:$0x3FAC]  }
0x28: {  	s2 =	sld [smem:$0x3FAD]  }
0x29: {  	s4 =	sld [smem:$0x3FAF]  }
0x2a: {  	p0 =	seq.s32 s5, $0x0;
	s5 =	sld [smem:$0x3FB0]  }
0x2b: {  	s6 =	sld [smem:$0x3FB1]  }
0x2c: {  	s7 =	sld [smem:$0x3FB2]  }
0x2d: {  	s3 =	simm.s32 $0x108;
	s8 =	sld [smem:$0x3FB3]  }
0x2e: {  	s3 =	simm.s32 @!p0 $0x1082;
	s9 =	sld [smem:$0x3FB4]  }
0x2f: {  	lr =	sadd.s32 s0, s3;
	s0 =	sld [smem:$0x3FAB]  }
0x30: {  	s3 =	sld [smem:$0x3FAE]  }
0x31: {  	[smem:$0x3FB7] =	sst s10  }
0x32: {  	s10 =	sld [smem:$0x3FB5];
	_ =	sdelay $0x3  }
0x33: {  	p0 =	seq.s32 s10, $0x1;
	s10 =	sld [smem:$0x3FB7];
	_ =	sdelay $0x3  }
0x34: {  	[smem:$0x3FB7] =	sst s10  }
0x35: {  	s10 =	sld [smem:$0x3FB6];
	_ =	sdelay $0x3  }
0x36: {  	p1 =	seq.s32 s10, $0x1;
	s10 =	sld [smem:$0x3FB7];
	_ =	sdelay $0x3  }
0x37: {  	[smem:$0x3FB7] =	sst s10  }
0x38: {  	s10 =	sld [smem:$0x3FB8]  }
0x39: {  	_ = 	snop;
	(pc) =	sbr.ind lr, $3  }
0x3a: {  	_ = 	snop  }
0x3b: {  	_ = 	snop  }
0x3c: {  	p2 =	seq.s32 s10, $0x1;
	s10 =	sld [smem:$0x3FB7]  }
0x3d: {  	_ =	shalt  }
0x3e: {  	_ =	shalt  }
0x3f: {  	_ =	shalt  }
0x40: {  	_ =	shalt  }
0x41: {  	_ =	shalt  }
0x42: {  	_ =	shalt  }
0x43: {  	_ =	shalt  }
0x44: {  	_ =	shalt  }
0x45: {  	_ =	shalt  }
0x46: {  	_ =	shalt  }
0x47: {  	_ =	shalt  }
0x48: {  	_ =	shalt  }
0x49: {  	_ =	shalt  }
0x4a: {  	_ =	shalt  }
0x4b: {  	_ =	shalt  }
0x4c: {  	_ =	shalt  }
0x4d: {  	_ =	shalt  }
0x4e: {  	_ =	shalt  }
0x4f: {  	_ =	shalt  }
0x50: {  	_ =	shalt  }
0x51: {  	_ =	shalt  }
0x52: {  	_ =	shalt  }
0x53: {  	_ =	shalt  }
0x54: {  	_ =	shalt  }
0x55: {  	_ =	shalt  }
0x56: {  	_ =	shalt  }
0x57: {  	_ =	shalt  }
0x58: {  	_ =	shalt  }
0x59: {  	_ =	shalt  }
0x5a: {  	_ =	shalt  }
0x5b: {  	_ =	shalt  }
0x5c: {  	_ =	shalt  }
0x5d: {  	_ =	shalt  }
0x5e: {  	_ =	shalt  }
0x5f: {  	_ =	shalt  }
0x60: {  	_ =	shalt  }
0x61: {  	_ =	shalt  }
0x62: {  	_ =	shalt  }
0x63: {  	_ =	shalt  }
0x64: {  	_ =	shalt  }
0x65: {  	_ =	shalt  }
0x66: {  	_ =	shalt  }
0x67: {  	_ =	shalt  }
0x68: {  	_ =	shalt  }
0x69: {  	_ =	shalt  }
0x6a: {  	_ =	shalt  }
0x6b: {  	_ =	shalt  }
0x6c: {  	_ =	shalt  }
0x6d: {  	_ =	shalt  }
0x6e: {  	_ =	shalt  }
0x6f: {  	_ =	shalt  }
0x70: {  	_ =	shalt  }
0x71: {  	_ =	shalt  }
0x72: {  	_ =	shalt  }
0x73: {  	_ =	shalt  }
0x74: {  	_ =	shalt  }
0x75: {  	_ =	shalt  }
0x76: {  	_ =	shalt  }
0x77: {  	_ =	shalt  }
0x78: {  	_ =	shalt  }
0x79: {  	_ =	shalt  }
0x7a: {  	_ =	shalt  }
0x7b: {  	_ =	shalt  }
0x7c: {  	_ =	shalt  }
0x7d: {  	_ =	shalt  }
0x7e: {  	_ =	shalt  }
0x7f: {  	_ =	shalt  }
0x80: {  	_ =	shalt  }
0x81: {  	_ =	shalt  }
0x82: {  	_ =	shalt  }
0x83: {  	_ =	shalt  }
0x84: {  	_ =	shalt  }
0x85: {  	_ =	shalt  }
0x86: {  	_ =	shalt  }
0x87: {  	_ =	shalt  }
.Lfunc_end0:
.L_simem_size_0:
called_computation_lowered:
.L_overlay_start_0:
0x88: {  	s2 =	sld [smem:$0x3FD9]  }
0x89: {  	s3 =	sld [smem:$0x3FFE];
	_ =	sdelay $0x1  }
0x8a: {  	s1 =	srdreg.scid  }
0x8b: {  	s0 =	sand.u32 $0x1, s1  }
0x8c: {  	s14 =	sshll.u32 s0, $0xA;
	s2 =	sadd.s32 s3, s2  }
0x8d: {  	s2 =	sadd.s32 s2, s14  }
0x8e: {  	[smem:$0x3FC3] =	sst s2  }
0x8f: {  	_ = 	snop  }
0x90: {  	s2 =	sld [smem:$0x3FD0];
	_ =	sdelay $0x1  }
0x91: {  	s15 =	sld [smem:$0x3FC9]  }
0x92: {  	s5 =	simm.s32 $0xA;
	s6 =	simm.s32 $0x10;
	s4 =	sld [smem:$0x3FC6]  }
0x93: {  	[smem:s6], [sflag:s5] =	dma.local [hbm:s2], $0x1  }
0x94: {  	_ =	swait.eq [sflag:s5], $0x1  }
0x95: {  	[sflag:s5] =	ssyncset.done $0x0  }
0x96: {  	[sflag:s5] =	ssyncadd.s32 $0xFFFFFFFF  }
0x97: {  	s16 =	sld [smem:$0x10];
	(tm) =	ssettm $0x1  }
0x98: {  	s17 =	sld [smem:$0x3FFB];
	_ =	sdelay $0x3  }
0x99: {  	_ =	strace s17  }
0x9a: {  	s5 =	sld [smem:$0x3FFC];
	_ =	sdelay $0x3  }
0x9b: {  	_ =	strace s5  }
0x9c: {  	s5 =	sld [smem:$0x3FFD];
	_ =	sdelay $0x3  }
0x9d: {  	_ =	strace s5  }
0x9e: {  	_ =	strace $0x8FFFFFFF  }
0x9f: {  	s18 =	sld [smem:$0x3FDB];
	_ =	sdelay $0x1  }
0xa0: {  	s19 =	simm.s32 $_scs_section_size  }
0xa1: {  	s7 =	simm.s32 $_size__tile_overlayer_lowered;
	s8 =	simm.s32 $_tile_overlayer_lowered  }
0xa2: {  	s22 =	simm.s32 $0x1BFF;
	s21 =	sshll.u32 s8, $0x1;
	s5 =	sadd.s32 s19, s18  }
0xa3: {  	s9 =	simm.s32 $0x0;
	s20 =	sshll.u32 s7, $0x1;
	s7 =	sadd.s32 s21, s5  }
0xa4: {  	[timem:s9], [sflag:s22] =	dma.local [hbm:s7], s20  }
0xa5: {  	_ =	swait.ge [sflag:s22], s20  }
0xa6: {  	s6 =	ssub.s32 $0x0, s20;
	[sflag:s22] =	ssyncset.done $0x0  }
0xa7: {  	[sflag:s22] =	ssyncadd.s32 s6;
	_ =	sdelay $0x1  }
0xa8: {  	s23 =	simm.s32 $0x1B8B  }
0xa9: {  	_ =	swait.ge [sflag:s23], $0x1  }
0xaa: {  	[sflag:s23] =	ssyncset.done $0x0  }
0xab: {  	s25 =	simm.s32 $0x1B8E;
	s24 =	sld [smem:$0x3FFE];
	[sflag:s23] =	ssyncadd.s32 $0xFFFFFFFF  }
0xac: {  	s26 =	simm.s32 $execute0_lowered;
	[smem:$0x3FD2] =	sst s25  }
0xad: {  	s7 =	sshll.u32 s26, $0x1;
	_ =	strace $0x80000046;
	[dreg:$0x1] =	wrdreg $0xFFFFFFFF  }
0xae: {  	s28 =	simm.s32 $_size_execute0_lowered;
	s5 =	sadd.s32 s5, s7;
	[dreg:$0x0] =	wrdreg $0x0  }
0xaf: {  	s7 =	sshll.u32 s28, $0x1;
	[dreg:$0x2] =	wrdreg s5  }
0xb0: {  	[dreg:$0x3] =	wrdreg s7  }
0xb1: {  	[dreg:$0x4] =	wrdreg $0xC0  }
0xb2: {  	_ =	task [dreg:s9], $0x5FFFF  }
0xb3: {  	[dreg:$0x1] =	wrdreg $0xFFFFFFFF  }
0xb4: {  	[dreg:$0x0] =	wrdreg $0x60  }
0xb5: {  	[dreg:$0x2] =	wrdreg s24  }
0xb6: {  	[dreg:$0x3] =	wrdreg s4  }
0xb7: {  	[dreg:$0x4] =	wrdreg s15  }
0xb8: {  	[dreg:$0x5] =	wrdreg s16  }
0xb9: {  	[dreg:$0x6] =	wrdreg $0x6D00  }
0xba: {  	[dreg:$0x7] =	wrdreg $0x9  }
0xbb: {  	_ =	task.clear_ibuf [dreg:s9], $0x8FFFF;
	_ =	strace $0x90000046  }
0xbc: {  	s29 =	simm.s32 $0x9;
	_ =	strace $0x80000048  }
0xbd: {  	_ =	swait.ge [sflag:s29], $0x1  }
0xbe: {  	[sflag:s29] =	ssyncadd.s32 $0xFFFFFFFF  }
0xbf: {  	_ =	strace $0x90000048  }
0xc0: {  	_ =	sfence  }
0xc1: {  	s30 =	sld [smem:$0x0];
	_ =	sdelay $0x2  }
0xc2: {  	s31 =	sshll.u32 s1, $0xD;
	s1 =	sshrl.u32 s1, $0x2  }
0xc3: {  	s3 =	sand.u32 $0x4000, s31;
	s1 =	sadd.s32 s1, s30  }
0xc4: {  	s0 =	sor.u32 s3, s0;
	s1 =	sshll.u32 s1, $0x11  }
0xc5: {  	s0 =	sor.u32 s1, s0  }
0xc6: {  	s0 =	sadd.s32 $0x8F2B, s0  }
0xc7: {  	[sflag:s0] =	ssyncadd.remote.s32 $0x1  }
0xc8: {  	_ =	sfence.sel $0xFFFF  }
0xc9: {  	[dreg:$0x0] =	wrdreg $0xFFFFFFFF;
	(pc) =	sbr.abs _section_cstart, $3  }
0xca: {  	[dreg:$0x1] =	wrdreg $0xFFFFFFFF  }
0xcb: {  	_ =	task.clear_ibuf [dreg:s9], $0x2FFFF;
	_ =	strace $0x9FFFFFFF  }
0xcc: {  	(tm) =	ssettm $0x7FFFFFFF  }
0xcd: {  	_ =	shalt  }
tec
execute0_lowered:
.L_overlay_start_1:
0x0: {  	(tag) =	ssettag $0x1  }
0x1: {  	s8 =	rddreg [dreg:$0x0]  }
0x2: {  	s1 =	rddreg [dreg:$0x1]  }
0x3: {  	s2 =	rddreg [dreg:$0x2]  }
0x4: {  	s9 =	rddreg [dreg:$0x3]  }
0x5: {  	s4 =	rddreg [dreg:$0x4]  }
0x6: {  	s0 =	rddreg [dreg:$0x5]  }
0x7: {  	s6 =	srdreg.scid;
	s3 =	stileid.u32  }
0x8: {  	s5 =	simm.s32 $0x0;
	s15 =	simm.s32 $0x4B0;
	s16 =	simm.s32 $0x320  }
0x9: {  	s17 =	simm.s32 $0x4D0;
	s18 =	simm.s32 $0x0;
	s10 =	sand.u32 $0x1, s6  }
0xa: {  	s11 =	smul.u32 $0x30E0, s3;
	[smem:$0x7FF] =	sst s5;
	s6 =	sadd.s32 $0x31800, s8  }
0xb: {  	s7 =	sadd.s32 $0xA00, s8;
	s13 =	sshll.u32 s3, $0x1;
	s14 =	smul.u32 $0x18700, s3  }
0xc: {  	s31 =	sshll.u32 s3, $0x6;
	s12 =	smul.u32 $0x30E00, s10;
	s26 =	ssub.s32 $0x2, s10  }
0xd: {  	_ =	strace $0x80000047;
	s10 =	sor.u32 s10, s13;
	s28 =	sshrl.u32 s26, $0x1  }
0xe: {  	s29 =	sshrl.u32 s14, $0x3;
	s30 =	sadd.s32 s14, s4;
	s14 =	simm.s32 $0x1  }
0xf: {  	s11 =	sadd.s32 s11, s12;
	s12 =	ssub.s32 s26, s28;
	s9 =	sadd.s32 s9, s29  }
0x10: {  	v0 =	vimm.s32 $0x0;
	vm0 =	vcmask $0x300;
	s13 =	sshrl.u32 s30, $0x3;
	s11 =	sadd.s32 s11, s8;
	s8 =	smul.u32 $0xC350, s10  }
0x11: {  	v1 =	vimm.f32 $0.0e+00;
	v0 =	vsel vm0, $0x3, v0;
	vm0 =	vmmov $0xffff;
	s10 =	sor.u32 $0x1C01, s31;
	s12 =	smax.u32 s12, $0x1;
	s11 =	sadd.s32 $0x62600, s11  }
.LBB2_1:
0x12: {  	[spmem:s13], [sflag:s10] =	dma.local [hbm:s9], $0x30E0  }
0x13: {  	_ =	swait.ge [sflag:s14], $0x30E0  }
0x14: {  	[sflag:s14] =	ssyncset.done $0x0  }
0x15: {  	[sflag:s14] =	ssyncadd.s32 $0xFFFFCF20  }
0x16: {  	[tilespmem:s15], [sflag:$0x1] =	stream.linear.gather [hbm4b:s2+s5], $0x20, $0x38;
	[tilespmem:$0x18DD0] =	vst v63  }
0x17: {  	_ =	swait.ge [sflag:s14], $0x20  }
0x18: {  	[sflag:s14] =	ssyncset.done $0x0  }
0x19: {  	[sflag:s14] =	ssyncadd.s32 $0xFFFFFFE0  }
0x1a: {  	[bflag:$0x0] =	sbarrier.arrive $0xFFFF  }
0x1b: {  	v2 =	vld [tilespmem:$0x4B0]  }
0x1c: {  	s19 =	simm.s32 $0x0;
	v3 =	vld [tilespmem:$0x4C0]  }
.LBB2_2:
0x1d: {  	s20 =	smul.u32 $0x190, s19;
	_ =	sdelay $0x1  }
0x1e: {  	s20 =	sadd.s32 s8, s20  }
0x1f: {  	s21 =	sshrl.u32 s20, $0x3  }
0x20: {  	s20 =	sadd.s32 s6, s21  }
0x21: {  	[tilespmem:s5], [sflag:$0x1] =	stream.linear.gather [hbm4b:s20+s5], $0x190, $0x38;
	[tilespmem:$0x18DD0] =	vst v63  }
0x22: {  	_ =	swait.ge [sflag:s14], $0x190  }
0x23: {  	s22 =	simm.s32 $0x0;
	[sflag:s14] =	ssyncset.done $0x0  }
0x24: {  	v4 =	vmov s22;
	s23 =	sadd.s32 s7, s21;
	s20 =	simm.s32 $0x190;
	[sflag:s14] =	ssyncadd.s32 $0xFFFFFE70  }
0x25: {  	v4 =	vshrl.u32 v4, $0x3;
	[tilespmem:s20], [sflag:$0x1] =	stream.linear.gather [hbm4b:s23+s5], $0x190, $0x38;
	[tilespmem:$0x18DD0] =	vst v63  }
0x26: {  	v5 =	vshll.u32 v4, v0;
	_ =	swait.ge [sflag:s14], $0x190  }
0x27: {  	v4 =	vbroadcast v5, $0x0;
	[sflag:s14] =	ssyncset.done $0x0  }
0x28: {  	s21 =	sadd.s32 s1, s21;
	[sflag:s14] =	ssyncadd.s32 $0xFFFFFE70  }
0x29: {  	[tilespmem:s16], [sflag:$0x1] =	stream.linear.gather [hbm4b:s21+s5], $0x190, $0x38;
	[tilespmem:$0x18DD0] =	vst v63  }
0x2a: {  	_ =	swait.ge [sflag:s14], $0x190  }
0x2b: {  	[sflag:s14] =	ssyncset.done $0x0  }
0x2c: {  	[sflag:s14] =	ssyncadd.s32 $0xFFFFFE70  }
0x2d: {  	v6 =	vld.idx.msk [tilespmem:v4+s5+$0x0], $0xffff  }
0x2e: {  	v4 =	vld.idx.msk [tilespmem:v4+s16+$0x0], $0xffff;
	_ =	sdelay $0x2  }
0x2f: {  	v7 =	vadd.s32 $0x1, v5  }
0x30: {  	v7 =	vbroadcast v7, $0x0  }
0x31: {  	vm1 =	veq.s32 v2, v6;
	vm2 =	veq.s32 v4, $0x1  }
0x32: {  	vm3 =	veq.s32 v3, v6;
	vm1 =	vmand vm1, vm2  }
0x33: {  	vm2 =	vmand vm3, vm2;
	v6 =	vsel vm1, $0x3F800000, v1  }
0x34: {  	v4 =	vld [tilespmem:s20+$0x0];
	v8 =	vsel vm2, $0x3F800000, v1;
	[tilespmem:$0x4D0] =	vst v6  }
0x35: {  	[tilespmem:$0x4E0] =	vst v8  }
0x36: {  	v6 =	vld.idx.msk [tilespmem:v7+s5+$0x0], $0xffff  }
0x37: {  	v7 =	vld.idx.msk [tilespmem:v7+s16+$0x0], $0xffff;
	_ =	sdelay $0x2  }
0x38: {  	v8 =	vadd.s32 $0x2, v5  }
0x39: {  	v8 =	vbroadcast v8, $0x0  }
0x3a: {  	vm1 =	veq.s32 v2, v6;
	vm2 =	veq.s32 v7, $0x1  }
0x3b: {  	vm3 =	veq.s32 v3, v6;
	vm1 =	vmand vm1, vm2  }
0x3c: {  	vm2 =	vmand vm3, vm2;
	v6 =	vsel vm1, $0x3F800000, v1  }
0x3d: {  	v7 =	vsel vm2, $0x3F800000, v1;
	[tilespmem:$0x4F0] =	vst v6  }
0x3e: {  	[tilespmem:$0x500] =	vst v7  }
0x3f: {  	v6 =	vld.idx.msk [tilespmem:v8+s5+$0x0], $0xffff  }
0x40: {  	v7 =	vld.idx.msk [tilespmem:v8+s16+$0x0], $0xffff;
	_ =	sdelay $0x2  }
0x41: {  	v8 =	vadd.s32 $0x3, v5  }
0x42: {  	v8 =	vbroadcast v8, $0x0  }
0x43: {  	vm1 =	veq.s32 v2, v6;
	vm2 =	veq.s32 v7, $0x1  }
0x44: {  	vm3 =	veq.s32 v3, v6;
	vm1 =	vmand vm1, vm2  }
0x45: {  	vm2 =	vmand vm3, vm2;
	v6 =	vsel vm1, $0x3F800000, v1  }
0x46: {  	v7 =	vsel vm2, $0x3F800000, v1;
	[tilespmem:$0x510] =	vst v6  }
0x47: {  	[tilespmem:$0x520] =	vst v7  }
0x48: {  	v6 =	vld.idx.msk [tilespmem:v8+s5+$0x0], $0xffff  }
0x49: {  	v7 =	vld.idx.msk [tilespmem:v8+s16+$0x0], $0xffff;
	_ =	sdelay $0x2  }
0x4a: {  	v8 =	vadd.s32 $0x4, v5  }
0x4b: {  	v8 =	vbroadcast v8, $0x0  }
0x4c: {  	vm1 =	veq.s32 v2, v6;
	vm2 =	veq.s32 v7, $0x1  }
0x4d: {  	vm3 =	veq.s32 v3, v6;
	vm1 =	vmand vm1, vm2  }
0x4e: {  	vm2 =	vmand vm3, vm2;
	v6 =	vsel vm1, $0x3F800000, v1  }
0x4f: {  	v7 =	vsel vm2, $0x3F800000, v1;
	[tilespmem:$0x530] =	vst v6  }
0x50: {  	[tilespmem:$0x540] =	vst v7  }
0x51: {  	v6 =	vld.idx.msk [tilespmem:v8+s5+$0x0], $0xffff  }
0x52: {  	v7 =	vld.idx.msk [tilespmem:v8+s16+$0x0], $0xffff;
	_ =	sdelay $0x2  }
0x53: {  	v8 =	vadd.s32 $0x5, v5  }
0x54: {  	v8 =	vbroadcast v8, $0x0  }
0x55: {  	vm1 =	veq.s32 v2, v6;
	vm2 =	veq.s32 v7, $0x1  }
0x56: {  	vm3 =	veq.s32 v3, v6;
	vm1 =	vmand vm1, vm2  }
0x57: {  	vm2 =	vmand vm3, vm2;
	v6 =	vsel vm1, $0x3F800000, v1  }
0x58: {  	v7 =	vsel vm2, $0x3F800000, v1;
	[tilespmem:$0x550] =	vst v6  }
0x59: {  	[tilespmem:$0x560] =	vst v7  }
0x5a: {  	v6 =	vld.idx.msk [tilespmem:v8+s5+$0x0], $0xffff  }
0x5b: {  	v7 =	vld.idx.msk [tilespmem:v8+s16+$0x0], $0xffff;
	_ =	sdelay $0x2  }
0x5c: {  	v8 =	vadd.s32 $0x6, v5  }
0x5d: {  	v8 =	vbroadcast v8, $0x0  }
0x5e: {  	vm1 =	veq.s32 v2, v6;
	vm2 =	veq.s32 v7, $0x1  }
0x5f: {  	vm3 =	veq.s32 v3, v6;
	vm1 =	vmand vm1, vm2  }
0x60: {  	vm2 =	vmand vm3, vm2;
	v6 =	vsel vm1, $0x3F800000, v1  }
0x61: {  	v7 =	vsel vm2, $0x3F800000, v1;
	[tilespmem:$0x570] =	vst v6  }
0x62: {  	[tilespmem:$0x580] =	vst v7  }
0x63: {  	v6 =	vld.idx.msk [tilespmem:v8+s5+$0x0], $0xffff  }
0x64: {  	v7 =	vld.idx.msk [tilespmem:v8+s16+$0x0], $0xffff;
	_ =	sdelay $0x2  }
0x65: {  	v5 =	vadd.s32 $0x7, v5  }
0x66: {  	v5 =	vbroadcast v5, $0x0  }
0x67: {  	vm1 =	veq.s32 v2, v6;
	vm2 =	veq.s32 v7, $0x1  }
0x68: {  	vm3 =	veq.s32 v3, v6;
	vm1 =	vmand vm1, vm2  }
0x69: {  	vm2 =	vmand vm3, vm2;
	v6 =	vsel vm1, $0x3F800000, v1  }
0x6a: {  	v7 =	vsel vm2, $0x3F800000, v1;
	[tilespmem:$0x590] =	vst v6  }
0x6b: {  	[tilespmem:$0x5A0] =	vst v7  }
0x6c: {  	v6 =	vld.idx.msk [tilespmem:v5+s5+$0x0], $0xffff  }
0x6d: {  	s24 =	simm.s32 $0x8;
	v5 =	vld.idx.msk [tilespmem:v5+s16+$0x0], $0xffff  }
0x6e: {  	v7 =	vmov s24  }
0x6f: {  	v7 =	vshrl.u32 v7, $0x3  }
0x70: {  	v7 =	vshll.u32 v7, v0  }
0x71: {  	v7 =	vbroadcast v7, $0x0  }
0x72: {  	vm1 =	veq.s32 v2, v6;
	vm2 =	veq.s32 v5, $0x1  }
0x73: {  	vm3 =	veq.s32 v3, v6;
	vm1 =	vmand vm1, vm2  }
0x74: {  	vm2 =	vmand vm3, vm2;
	v5 =	vsel vm1, $0x3F800000, v1  }
0x75: {  	v6 =	vsel vm2, $0x3F800000, v1;
	[tilespmem:$0x5B0] =	vst v5  }
0x76: {  	[tilespmem:$0x5C0] =	vst v6  }
0x77: {  	s25 =	simm.s32 $0x9;
	v5 =	vld.idx.msk [tilespmem:v7+s5+$0x0], $0xffff  }
0x78: {  	v6 =	vld.idx.msk [tilespmem:v7+s16+$0x0], $0xffff;
	v7 =	vmov s25  }
0x79: {  	v7 =	vshrl.u32 v7, $0x3  }
0x7a: {  	v7 =	vshll.u32 v7, v0  }
0x7b: {  	v7 =	vadd.s32 $0x1, v7  }
0x7c: {  	v7 =	vbroadcast v7, $0x0  }
0x7d: {  	vm1 =	veq.s32 v2, v5;
	vm2 =	veq.s32 v6, $0x1  }
0x7e: {  	vm3 =	veq.s32 v3, v5;
	vm1 =	vmand vm1, vm2  }
0x7f: {  	vm2 =	vmand vm3, vm2;
	v5 =	vsel vm1, $0x3F800000, v1  }
0x80: {  	v6 =	vsel vm2, $0x3F800000, v1;
	[tilespmem:$0x5D0] =	vst v5  }
0x81: {  	[tilespmem:$0x5E0] =	vst v6  }
0x82: {  	s26 =	simm.s32 $0xA;
	v5 =	vld.idx.msk [tilespmem:v7+s5+$0x0], $0xffff  }
0x83: {  	v6 =	vld.idx.msk [tilespmem:v7+s16+$0x0], $0xffff;
	v7 =	vmov s26  }
0x84: {  	v7 =	vshrl.u32 v7, $0x3  }
0x85: {  	v7 =	vshll.u32 v7, v0  }
0x86: {  	v7 =	vadd.s32 $0x2, v7  }
0x87: {  	v7 =	vbroadcast v7, $0x0  }
0x88: {  	vm1 =	veq.s32 v2, v5;
	vm2 =	veq.s32 v6, $0x1  }
0x89: {  	vm3 =	veq.s32 v3, v5;
	vm1 =	vmand vm1, vm2  }
0x8a: {  	vm2 =	vmand vm3, vm2;
	v5 =	vsel vm1, $0x3F800000, v1  }
0x8b: {  	v6 =	vsel vm2, $0x3F800000, v1;
	[tilespmem:$0x5F0] =	vst v5  }
0x8c: {  	[tilespmem:$0x600] =	vst v6  }
0x8d: {  	s28 =	simm.s32 $0xB;
	v5 =	vld.idx.msk [tilespmem:v7+s5+$0x0], $0xffff  }
0x8e: {  	v6 =	vld.idx.msk [tilespmem:v7+s16+$0x0], $0xffff;
	v7 =	vmov s28  }
0x8f: {  	v7 =	vshrl.u32 v7, $0x3  }
0x90: {  	v7 =	vshll.u32 v7, v0  }
0x91: {  	v7 =	vadd.s32 $0x3, v7  }
0x92: {  	v7 =	vbroadcast v7, $0x0  }
0x93: {  	vm1 =	veq.s32 v2, v5;
	vm2 =	veq.s32 v6, $0x1  }
0x94: {  	vm3 =	veq.s32 v3, v5;
	vm1 =	vmand vm1, vm2  }
0x95: {  	vm2 =	vmand vm3, vm2;
	v5 =	vsel vm1, $0x3F800000, v1  }
0x96: {  	v6 =	vsel vm2, $0x3F800000, v1;
	[tilespmem:$0x610] =	vst v5  }
0x97: {  	[tilespmem:$0x620] =	vst v6  }
0x98: {  	s29 =	simm.s32 $0xC;
	v5 =	vld.idx.msk [tilespmem:v7+s5+$0x0], $0xffff  }
0x99: {  	v6 =	vld.idx.msk [tilespmem:v7+s16+$0x0], $0xffff;
	v7 =	vmov s29  }
0x9a: {  	v7 =	vshrl.u32 v7, $0x3  }
0x9b: {  	v7 =	vshll.u32 v7, v0  }
0x9c: {  	v7 =	vadd.s32 $0x4, v7  }
0x9d: {  	v7 =	vbroadcast v7, $0x0  }
0x9e: {  	vm1 =	veq.s32 v2, v5;
	vm2 =	veq.s32 v6, $0x1  }
0x9f: {  	vm3 =	veq.s32 v3, v5;
	vm1 =	vmand vm1, vm2  }
0xa0: {  	vm2 =	vmand vm3, vm2;
	v5 =	vsel vm1, $0x3F800000, v1  }
0xa1: {  	v6 =	vsel vm2, $0x3F800000, v1;
	[tilespmem:$0x630] =	vst v5  }
0xa2: {  	[tilespmem:$0x640] =	vst v6  }
0xa3: {  	s30 =	simm.s32 $0xD;
	v5 =	vld.idx.msk [tilespmem:v7+s5+$0x0], $0xffff  }
0xa4: {  	v6 =	vld.idx.msk [tilespmem:v7+s16+$0x0], $0xffff;
	v7 =	vmov s30  }
0xa5: {  	v7 =	vshrl.u32 v7, $0x3  }
0xa6: {  	v7 =	vshll.u32 v7, v0  }
0xa7: {  	v7 =	vadd.s32 $0x5, v7  }
0xa8: {  	v7 =	vbroadcast v7, $0x0  }
0xa9: {  	vm1 =	veq.s32 v2, v5;
	vm2 =	veq.s32 v6, $0x1  }
0xaa: {  	vm3 =	veq.s32 v3, v5;
	vm1 =	vmand vm1, vm2  }
0xab: {  	vm2 =	vmand vm3, vm2;
	v5 =	vsel vm1, $0x3F800000, v1  }
0xac: {  	s31 =	simm.s32 $0xE;
	v6 =	vsel vm2, $0x3F800000, v1;
	[tilespmem:$0x650] =	vst v5  }
0xad: {  	[tilespmem:$0x660] =	vst v6;
	v6 =	vmov s31  }
0xae: {  	v6 =	vshrl.u32 v6, $0x3;
	v5 =	vld.idx.msk [tilespmem:v7+s5+$0x0], $0xffff  }
0xaf: {  	v6 =	vshll.u32 v6, v0  }
0xb0: {  	v8 =	vadd.s32 $0x6, v6;
	v6 =	vld.idx.msk [tilespmem:v7+s16+$0x0], $0xffff;
	_ =	sdelay $0x2  }
0xb1: {  	s22 =	simm.s32 $0x1F;
	s21 =	simm.s32 $0xF;
	vm1 =	veq.s32 v2, v5;
	vm2 =	veq.s32 v3, v5;
	v5 =	vbroadcast v8, $0x0  }
.LBB2_3:
0xb2: {  	p0 =	sne.s32 s22, $0x18F  }
0xb3: {  	vm3 =	veq.s32 v6, $0x1;
	s20 =	sadd.s32 $0x10, s20;
	s23 =	smov.u32 s22;
	s22 =	sadd.s32 $0x10, s22  }
0xb4: {  	vm1 =	vmand vm1, vm3;
	vm2 =	vmand vm2, vm3  }
0xb5: {  	v6 =	vsel vm1, $0x3F800000, v1;
	v7 =	vsel vm2, $0x3F800000, v1  }
0xb6: {  	[tilespmem:$0x670] =	vst v6  }
0xb7: {  	[tilespmem:$0x680] =	vst v7  }
0xb8: {  	v6 =	vld.idx.msk [tilespmem:v5+s5+$0x0], $0xffff  }
0xb9: {  	v5 =	vld.idx.msk [tilespmem:v5+s16+$0x0], $0xffff  }
0xba: {  	v7 =	vmov s21;
	s21 =	smov.u32 s23  }
0xbb: {  	v7 =	vshrl.u32 v7, $0x3  }
0xbc: {  	v7 =	vshll.u32 v7, v0  }
0xbd: {  	v7 =	vadd.s32 $0x7, v7  }
0xbe: {  	vm1 =	veq.s32 v2, v6;
	vm2 =	veq.s32 v3, v6;
	v6 =	vbroadcast v7, $0x0  }
0xbf: {  	vm3 =	veq.s32 v5, $0x1  }
0xc0: {  	vm1 =	vmand vm1, vm3;
	vm2 =	vmand vm2, vm3  }
0xc1: {  	v5 =	vsel vm1, $0x3F800000, v1;
	v7 =	vsel vm2, $0x3F800000, v1  }
0xc2: {  	[tilespmem:$0x690] =	vst v5  }
0xc3: {  	[tilespmem:$0x6A0] =	vst v7  }
0xc4: {  	v5 =	vld.idx.msk [tilespmem:v6+s5+$0x0], $0xffff  }
0xc5: {  	v6 =	vld.idx.msk [tilespmem:v6+s16+$0x0], $0xffff;
	_ =	sdelay $0x4  }
0xc6: {  	s23 =	sadd.s32 $0xFFFFFFF1, s21;
	vm1 =	veq.s32 v2, v5;
	vm2 =	veq.s32 v3, v5  }
0xc7: {  	v5 =	vmov s23;
	vm3 =	veq.s32 v6, $0x1  }
0xc8: {  	v5 =	vshrl.u32 v5, $0x3;
	vm1 =	vmand vm1, vm3;
	vm2 =	vmand vm2, vm3  }
0xc9: {  	v5 =	vshll.u32 v5, v0;
	v6 =	vsel vm1, $0x3F800000, v1;
	v7 =	vsel vm2, $0x3F800000, v1  }
0xca: {  	v8 =	vbroadcast v5, $0x0;
	v9 =	vadd.s32 $0x1, v5;
	v10 =	vadd.s32 $0x2, v5;
	[tilespmem:$0x6B0] =	vst v6  }
0xcb: {  	v11 =	vadd.s32 $0x3, v5;
	v12 =	vadd.s32 $0x4, v5;
	v13 =	vadd.s32 $0x5, v5;
	[tilespmem:$0x6C0] =	vst v7  }
0xcc: {  	v6 =	vadd.s32 $0x6, v5;
	v5 =	vadd.s32 $0x7, v5;
	[spmem:s4] =	stream.indirect_vreg.scatter.add.f32 [tilespmem:s17], [sflag:$0x1], $0x20, v4, vm0, $0xb8;
	[tilespmem:$0x18DD0] =	vst v63  }
0xcd: {  	_ =	swait.ge [sflag:s14], $0x200  }
0xce: {  	[sflag:s14] =	ssyncset.done $0x0  }
0xcf: {  	[sflag:s14] =	ssyncadd.s32 $0xFFFFFE00  }
0xd0: {  	v4 =	vld.idx.msk [tilespmem:v8+s5+$0x0], $0xffff  }
0xd1: {  	v7 =	vld.idx.msk [tilespmem:v8+s16+$0x0], $0xffff;
	_ =	sdelay $0x4  }
0xd2: {  	v8 =	vbroadcast v9, $0x0;
	vm1 =	veq.s32 v2, v4;
	vm2 =	veq.s32 v3, v4  }
0xd3: {  	vm3 =	veq.s32 v7, $0x1  }
0xd4: {  	vm1 =	vmand vm1, vm3;
	vm2 =	vmand vm2, vm3  }
0xd5: {  	v7 =	vsel vm1, $0x3F800000, v1;
	v9 =	vsel vm2, $0x3F800000, v1;
	v4 =	vld [tilespmem:s20+$0x0]  }
0xd6: {  	[tilespmem:$0x4D0] =	vst v7  }
0xd7: {  	[tilespmem:$0x4E0] =	vst v9  }
0xd8: {  	v7 =	vld.idx.msk [tilespmem:v8+s5+$0x0], $0xffff  }
0xd9: {  	v8 =	vld.idx.msk [tilespmem:v8+s16+$0x0], $0xffff;
	_ =	sdelay $0x4  }
0xda: {  	vm1 =	veq.s32 v2, v7;
	vm2 =	veq.s32 v3, v7;
	v7 =	vbroadcast v10, $0x0  }
0xdb: {  	vm3 =	veq.s32 v8, $0x1  }
0xdc: {  	vm1 =	vmand vm1, vm3;
	vm2 =	vmand vm2, vm3  }
0xdd: {  	v8 =	vsel vm1, $0x3F800000, v1;
	v9 =	vsel vm2, $0x3F800000, v1  }
0xde: {  	[tilespmem:$0x4F0] =	vst v8  }
0xdf: {  	[tilespmem:$0x500] =	vst v9  }
0xe0: {  	v8 =	vld.idx.msk [tilespmem:v7+s5+$0x0], $0xffff  }
0xe1: {  	v7 =	vld.idx.msk [tilespmem:v7+s16+$0x0], $0xffff;
	_ =	sdelay $0x4  }
0xe2: {  	vm1 =	veq.s32 v2, v8;
	vm2 =	veq.s32 v3, v8;
	v8 =	vbroadcast v11, $0x0  }
0xe3: {  	vm3 =	veq.s32 v7, $0x1  }
0xe4: {  	vm1 =	vmand vm1, vm3;
	vm2 =	vmand vm2, vm3  }
0xe5: {  	v7 =	vsel vm1, $0x3F800000, v1;
	v9 =	vsel vm2, $0x3F800000, v1  }
0xe6: {  	[tilespmem:$0x510] =	vst v7  }
0xe7: {  	[tilespmem:$0x520] =	vst v9  }
0xe8: {  	v7 =	vld.idx.msk [tilespmem:v8+s5+$0x0], $0xffff  }
0xe9: {  	v8 =	vld.idx.msk [tilespmem:v8+s16+$0x0], $0xffff;
	_ =	sdelay $0x4  }
0xea: {  	vm1 =	veq.s32 v2, v7;
	vm2 =	veq.s32 v3, v7;
	v7 =	vbroadcast v12, $0x0  }
0xeb: {  	vm3 =	veq.s32 v8, $0x1  }
0xec: {  	vm1 =	vmand vm1, vm3;
	vm2 =	vmand vm2, vm3  }
0xed: {  	v8 =	vsel vm1, $0x3F800000, v1;
	v9 =	vsel vm2, $0x3F800000, v1  }
0xee: {  	[tilespmem:$0x530] =	vst v8  }
0xef: {  	[tilespmem:$0x540] =	vst v9  }
0xf0: {  	v8 =	vld.idx.msk [tilespmem:v7+s5+$0x0], $0xffff  }
0xf1: {  	v7 =	vld.idx.msk [tilespmem:v7+s16+$0x0], $0xffff;
	_ =	sdelay $0x4  }
0xf2: {  	vm1 =	veq.s32 v2, v8;
	vm2 =	veq.s32 v3, v8;
	v8 =	vbroadcast v13, $0x0  }
0xf3: {  	vm3 =	veq.s32 v7, $0x1  }
0xf4: {  	vm1 =	vmand vm1, vm3;
	vm2 =	vmand vm2, vm3  }
0xf5: {  	v7 =	vsel vm1, $0x3F800000, v1;
	v9 =	vsel vm2, $0x3F800000, v1  }
0xf6: {  	[tilespmem:$0x550] =	vst v7  }
0xf7: {  	[tilespmem:$0x560] =	vst v9  }
0xf8: {  	v7 =	vld.idx.msk [tilespmem:v8+s5+$0x0], $0xffff  }
0xf9: {  	v8 =	vld.idx.msk [tilespmem:v8+s16+$0x0], $0xffff;
	_ =	sdelay $0x4  }
0xfa: {  	v6 =	vbroadcast v6, $0x0;
	vm1 =	veq.s32 v2, v7;
	vm2 =	veq.s32 v3, v7  }
0xfb: {  	vm3 =	veq.s32 v8, $0x1  }
0xfc: {  	vm1 =	vmand vm1, vm3;
	vm2 =	vmand vm2, vm3  }
0xfd: {  	v7 =	vsel vm1, $0x3F800000, v1;
	v8 =	vsel vm2, $0x3F800000, v1  }
0xfe: {  	[tilespmem:$0x570] =	vst v7  }
0xff: {  	[tilespmem:$0x580] =	vst v8  }
0x100: {  	v7 =	vld.idx.msk [tilespmem:v6+s5+$0x0], $0xffff  }
0x101: {  	v6 =	vld.idx.msk [tilespmem:v6+s16+$0x0], $0xffff;
	_ =	sdelay $0x4  }
0x102: {  	v5 =	vbroadcast v5, $0x0;
	vm1 =	veq.s32 v2, v7;
	vm2 =	veq.s32 v3, v7  }
0x103: {  	vm3 =	veq.s32 v6, $0x1  }
0x104: {  	vm1 =	vmand vm1, vm3;
	vm2 =	vmand vm2, vm3  }
0x105: {  	v6 =	vsel vm1, $0x3F800000, v1;
	v7 =	vsel vm2, $0x3F800000, v1  }
0x106: {  	[tilespmem:$0x590] =	vst v6  }
0x107: {  	[tilespmem:$0x5A0] =	vst v7  }
0x108: {  	v6 =	vld.idx.msk [tilespmem:v5+s5+$0x0], $0xffff  }
0x109: {  	v5 =	vld.idx.msk [tilespmem:v5+s16+$0x0], $0xffff  }
0x10a: {  	s23 =	sadd.s32 $0xFFFFFFF9, s21  }
0x10b: {  	v7 =	vmov s23  }
0x10c: {  	v7 =	vshrl.u32 v7, $0x3  }
0x10d: {  	v7 =	vshll.u32 v7, v0  }
0x10e: {  	vm1 =	veq.s32 v2, v6;
	vm2 =	veq.s32 v3, v6;
	v6 =	vbroadcast v7, $0x0  }
0x10f: {  	vm3 =	veq.s32 v5, $0x1  }
0x110: {  	vm1 =	vmand vm1, vm3;
	vm2 =	vmand vm2, vm3  }
0x111: {  	v5 =	vsel vm1, $0x3F800000, v1;
	v7 =	vsel vm2, $0x3F800000, v1  }
0x112: {  	[tilespmem:$0x5B0] =	vst v5  }
0x113: {  	[tilespmem:$0x5C0] =	vst v7  }
0x114: {  	v5 =	vld.idx.msk [tilespmem:v6+s5+$0x0], $0xffff  }
0x115: {  	s23 =	sadd.s32 $0xFFFFFFFA, s21;
	v6 =	vld.idx.msk [tilespmem:v6+s16+$0x0], $0xffff  }
0x116: {  	v7 =	vmov s23  }
0x117: {  	v7 =	vshrl.u32 v7, $0x3  }
0x118: {  	v7 =	vshll.u32 v7, v0  }
0x119: {  	v7 =	vadd.s32 $0x1, v7  }
0x11a: {  	vm1 =	veq.s32 v2, v5;
	vm2 =	veq.s32 v3, v5;
	v5 =	vbroadcast v7, $0x0  }
0x11b: {  	vm3 =	veq.s32 v6, $0x1  }
0x11c: {  	vm1 =	vmand vm1, vm3;
	vm2 =	vmand vm2, vm3  }
0x11d: {  	v6 =	vsel vm1, $0x3F800000, v1;
	v7 =	vsel vm2, $0x3F800000, v1  }
0x11e: {  	[tilespmem:$0x5D0] =	vst v6  }
0x11f: {  	[tilespmem:$0x5E0] =	vst v7  }
0x120: {  	v6 =	vld.idx.msk [tilespmem:v5+s5+$0x0], $0xffff  }
0x121: {  	s23 =	sadd.s32 $0xFFFFFFFB, s21;
	v5 =	vld.idx.msk [tilespmem:v5+s16+$0x0], $0xffff  }
0x122: {  	v7 =	vmov s23  }
0x123: {  	v7 =	vshrl.u32 v7, $0x3  }
0x124: {  	v7 =	vshll.u32 v7, v0  }
0x125: {  	v7 =	vadd.s32 $0x2, v7  }
0x126: {  	vm1 =	veq.s32 v2, v6;
	vm2 =	veq.s32 v3, v6;
	v6 =	vbroadcast v7, $0x0  }
0x127: {  	vm3 =	veq.s32 v5, $0x1  }
0x128: {  	vm1 =	vmand vm1, vm3;
	vm2 =	vmand vm2, vm3  }
0x129: {  	v5 =	vsel vm1, $0x3F800000, v1;
	v7 =	vsel vm2, $0x3F800000, v1  }
0x12a: {  	[tilespmem:$0x5F0] =	vst v5  }
0x12b: {  	[tilespmem:$0x600] =	vst v7  }
0x12c: {  	v5 =	vld.idx.msk [tilespmem:v6+s5+$0x0], $0xffff  }
0x12d: {  	s23 =	sadd.s32 $0xFFFFFFFC, s21;
	v6 =	vld.idx.msk [tilespmem:v6+s16+$0x0], $0xffff  }
0x12e: {  	v7 =	vmov s23  }
0x12f: {  	v7 =	vshrl.u32 v7, $0x3  }
0x130: {  	v7 =	vshll.u32 v7, v0  }
0x131: {  	v7 =	vadd.s32 $0x3, v7  }
0x132: {  	vm1 =	veq.s32 v2, v5;
	vm2 =	veq.s32 v3, v5;
	v5 =	vbroadcast v7, $0x0  }
0x133: {  	vm3 =	veq.s32 v6, $0x1  }
0x134: {  	vm1 =	vmand vm1, vm3;
	vm2 =	vmand vm2, vm3  }
0x135: {  	v6 =	vsel vm1, $0x3F800000, v1;
	v7 =	vsel vm2, $0x3F800000, v1  }
0x136: {  	[tilespmem:$0x610] =	vst v6  }
0x137: {  	[tilespmem:$0x620] =	vst v7  }
0x138: {  	v6 =	vld.idx.msk [tilespmem:v5+s5+$0x0], $0xffff  }
0x139: {  	s23 =	sadd.s32 $0xFFFFFFFD, s21;
	v5 =	vld.idx.msk [tilespmem:v5+s16+$0x0], $0xffff  }
0x13a: {  	v7 =	vmov s23  }
0x13b: {  	v7 =	vshrl.u32 v7, $0x3  }
0x13c: {  	v7 =	vshll.u32 v7, v0  }
0x13d: {  	v7 =	vadd.s32 $0x4, v7  }
0x13e: {  	vm1 =	veq.s32 v2, v6;
	vm2 =	veq.s32 v3, v6;
	v6 =	vbroadcast v7, $0x0  }
0x13f: {  	vm3 =	veq.s32 v5, $0x1  }
0x140: {  	vm1 =	vmand vm1, vm3;
	vm2 =	vmand vm2, vm3  }
0x141: {  	v5 =	vsel vm1, $0x3F800000, v1;
	v7 =	vsel vm2, $0x3F800000, v1  }
0x142: {  	[tilespmem:$0x630] =	vst v5  }
0x143: {  	[tilespmem:$0x640] =	vst v7  }
0x144: {  	v5 =	vld.idx.msk [tilespmem:v6+s5+$0x0], $0xffff  }
0x145: {  	s23 =	sadd.s32 $0xFFFFFFFE, s21;
	v6 =	vld.idx.msk [tilespmem:v6+s16+$0x0], $0xffff  }
0x146: {  	v7 =	vmov s23  }
0x147: {  	v7 =	vshrl.u32 v7, $0x3  }
0x148: {  	v7 =	vshll.u32 v7, v0  }
0x149: {  	v7 =	vadd.s32 $0x5, v7  }
0x14a: {  	vm1 =	veq.s32 v2, v5;
	vm2 =	veq.s32 v3, v5;
	v5 =	vbroadcast v7, $0x0  }
0x14b: {  	vm3 =	veq.s32 v6, $0x1  }
0x14c: {  	vm1 =	vmand vm1, vm3;
	vm2 =	vmand vm2, vm3  }
0x14d: {  	v6 =	vsel vm1, $0x3F800000, v1;
	v7 =	vsel vm2, $0x3F800000, v1  }
0x14e: {  	[tilespmem:$0x650] =	vst v6  }
0x14f: {  	[tilespmem:$0x660] =	vst v7  }
0x150: {  	v7 =	vld.idx.msk [tilespmem:v5+s5+$0x0], $0xffff  }
0x151: {  	s23 =	sadd.s32 $0xFFFFFFFF, s21;
	v6 =	vld.idx.msk [tilespmem:v5+s16+$0x0], $0xffff  }
.Ltmp0:
0x152: {  	v5 =	vmov s23;
	(pc) =	sbr.rel @p0 .LBB2_3-.Ltmp0, $4  }
0x153: {  	v5 =	vshrl.u32 v5, $0x3  }
0x154: {  	v5 =	vshll.u32 v5, v0  }
0x155: {  	v5 =	vadd.s32 $0x6, v5  }
0x156: {  	vm1 =	veq.s32 v2, v7;
	vm2 =	veq.s32 v3, v7;
	v5 =	vbroadcast v5, $0x0  }
0x157: {  	vm3 =	veq.s32 v6, $0x1  }
0x158: {  	vm1 =	vmand vm1, vm3  }
0x159: {  	vm2 =	vmand vm2, vm3;
	v60 =	vsel vm1, $0x3F800000, v1  }
0x15a: {  	v7 =	vsel vm2, $0x3F800000, v1;
	[tilespmem:$0x670] =	vst v60  }
0x15b: {  	[tilespmem:$0x680] =	vst v7  }
0x15c: {  	v6 =	vld.idx.msk [tilespmem:v5+s5+$0x0], $0xffff  }
0x15d: {  	v61 =	vmov s21;
	v5 =	vld.idx.msk [tilespmem:v5+s16+$0x0], $0xffff  }
0x15e: {  	v7 =	vshrl.u32 v61, $0x3  }
0x15f: {  	v7 =	vshll.u32 v7, v0  }
0x160: {  	v7 =	vadd.s32 $0x7, v7  }
0x161: {  	v7 =	vbroadcast v7, $0x0  }
0x162: {  	vm1 =	veq.s32 v2, v6;
	vm2 =	veq.s32 v5, $0x1  }
0x163: {  	vm3 =	veq.s32 v3, v6;
	vm1 =	vmand vm1, vm2  }
0x164: {  	vm2 =	vmand vm3, vm2;
	v5 =	vsel vm1, $0x3F800000, v1  }
0x165: {  	v62 =	vsel vm2, $0x3F800000, v1;
	[tilespmem:$0x690] =	vst v5  }
0x166: {  	[tilespmem:$0x6A0] =	vst v62  }
0x167: {  	v5 =	vld.idx.msk [tilespmem:v7+s5+$0x0], $0xffff  }
0x168: {  	v6 =	vld.idx.msk [tilespmem:v7+s16+$0x0], $0xffff;
	_ =	sdelay $0x4  }
0x169: {  	vm1 =	veq.s32 v2, v5;
	vm2 =	veq.s32 v6, $0x1  }
0x16a: {  	vm3 =	veq.s32 v3, v5;
	vm1 =	vmand vm1, vm2  }
0x16b: {  	s19 =	sadd.s32 $0x1, s19;
	vm2 =	vmand vm3, vm2;
	v5 =	vsel vm1, $0x3F800000, v1  }
0x16c: {  	p0 =	sne.s32 s19, $0x7D;
	v63 =	vsel vm2, $0x3F800000, v1;
	[tilespmem:$0x6B0] =	vst v5  }
.Ltmp1:
0x16d: {  	[tilespmem:$0x6C0] =	vst v63;
	(pc) =	sbr.rel @p0 .LBB2_2-.Ltmp1, $4  }
0x16e: {  	[spmem:s4] =	stream.indirect_vreg.scatter.add.f32 [tilespmem:s17], [sflag:$0x1], $0x20, v4, vm0, $0xb8;
	[tilespmem:$0x18DD0] =	vst v63  }
0x16f: {  	_ =	swait.ge [sflag:s14], $0x200  }
0x170: {  	[sflag:s14] =	ssyncset.done $0x0  }
0x171: {  	[sflag:s14] =	ssyncadd.s32 $0xFFFFFE00  }
0x172: {  	s18 =	sadd.s32 $0x1, s18  }
0x173: {  	p0 =	sne.s32 s18, s12  }
.Ltmp2:
0x174: {  	[bflag:$0x0] =	sbarrier.arrive $0xFFFF;
	(pc) =	sbr.rel @p0 .LBB2_1-.Ltmp2, $4  }
0x175: {  	[hbm:s11], [sflag:s10] =	dma.local [spmem:s13], $0x30E0  }
0x176: {  	_ =	swait.ge [sflag:s14], $0x30E0  }
0x177: {  	[sflag:s14] =	ssyncset.done $0x0  }
0x178: {  	[sflag:s14] =	ssyncadd.s32 $0xFFFFCF20  }
0x179: {  	_ =	sfence.sel $0x180000  }
0x17a: {  	[bflag:$0x0] =	sbarrier.arrive $0xFFFF  }
0x17b: {  	p0 =	sne.s32 s3, $0x0;
	_ =	strace $0x90000047  }
0x17c: {  	s0 =	sadd.s32 @!p0 $0x100000, s0;
	[bflag:$0x2] =	sbarrier.arrive $0xFFFF  }
0x17d: {  	[sflag:s0] =	ssyncadd.tile.s32 @!p0 $0x1;
	_ =	shalt  }
.Lfunc_end2:
_tile_overlayer_lowered:
.L_overlay_start_2:
0x17e: {  	(tag) =	ssettag $0x2  }
0x17f: {  	s0 =	rddreg [dreg:$0x0];
	s2 =	stileid.u32  }
0x180: {  	s1 =	rddreg [dreg:$0x1];
	p0 =	sne.s32 s2, $0x0  }
0x181: {  	s3 =	rddreg [dreg:$0x2];
	[bflag:$0x3] =	sbarrier.arrive $0xFFFF;
	s2 =	simm.s32 @!p0 $0x1C01  }
0x182: {  	[timem:s3], [sflag:s2] =	dma.local @!p0 [hbm:s0], s1  }
0x183: {  	s0 =	simm.s32 @!p0 $0x1  }
0x184: {  	_ =	swait.ge @!p0 [sflag:s0], s1  }
0x185: {  	s1 =	ssub.s32 @!p0 $0x0, s1;
	[sflag:s0] =	ssyncset.done @!p0 $0x0  }
0x186: {  	[sflag:s0] =	ssyncadd.s32 @!p0 s1  }
0x187: {  	[bflag:$0x3] =	sbarrier.arrive $0xFFFF  }
0x188: {  	_ =	shalt  }

// kernel: kernel.7.cloned.1.call-start
scs
__scs_entry_jumppad:
0x0: {  	(pc) =	sbr.rel $0x88, $3  }
0x1: {  	(tag) =	ssettag $0x0;
	lr =	simm.s32 $0x1  }
0x2: {  	[smem:$0x3F9C] =	sst lr;
	_ =	strace $0xD0000000  }
0x3: {  	_ = 	snop  }
0x4: {  	_ = 	snop  }
0x5: {  	_ = 	snop  }
0x6: {  	_ = 	snop  }
0x7: {  	_ = 	snop  }
__scs_overlays_trampoline_lowered:
0x8: {  	[smem:$0x3FAB] =	sst s0  }
0x9: {  	[smem:$0x3FAC] =	sst s1  }
0xa: {  	[smem:$0x3FAD] =	sst s2  }
0xb: {  	[smem:$0x3FAE] =	sst s3  }
0xc: {  	[smem:$0x3FAF] =	sst s4  }
0xd: {  	[smem:$0x3FB0] =	sst s5  }
0xe: {  	[smem:$0x3FB1] =	sst s6  }
0xf: {  	[smem:$0x3FB2] =	sst s7  }
0x10: {  	[smem:$0x3FB3] =	sst s8  }
0x11: {  	[smem:$0x3FB4] =	sst s9;
	s0 =	simm.s32 @!p0 $0x0  }
0x12: {  	s1 =	sld [smem:$0x3F9A];
	s0 =	simm.s32 @p0 $0x1  }
0x13: {  	[smem:$0x3FB5] =	sst s0;
	s0 =	simm.s32 @!p1 $0x0  }
0x14: {  	s2 =	sld [smem:$0x3F99];
	s0 =	simm.s32 @p1 $0x1  }
0x15: {  	[smem:$0x3FB6] =	sst s0;
	s0 =	simm.s32 @!p2 $0x0  }
0x16: {  	s3 =	sld [smem:$0x3FDB];
	s0 =	simm.s32 @p2 $0x1  }
0x17: {  	s4 =	simm.s32 $0x1BF5;
	[smem:$0x3FB8] =	sst s0  }
0x18: {  	s0 =	sld [smem:$0x3F9B];
	_ =	swait.ge [sflag:s4], $0x0  }
0x19: {  	s7 =	sld [smem:$0x3F9C]  }
0x1a: {  	s8 =	sadd.s32 $0xFFFFE003, lr  }
0x1b: {  	s9 =	sadd.s32 $0xFFFFFEF7, lr;
	s5 =	simm.s32 $0xFFFFFFFF;
	p2 =	slt.u32 s8, $0xFFFFF086  }
0x1c: {  	p1 =	slt.u32 s9, $0xF7A;
	s5 =	simm.s32 @!p2 $0x0  }
0x1d: {  	s5 =	simm.s32 @p1 $0x1;
	p0 =	seq.s32 s7, s2  }
0x1e: {  	s7 =	smul.u32 @!p0 $0xF7A, s2;
	p2 =	seq.s32 @!p0 s5, $0x0  }
0x1f: {  	s9 =	smul.u32 $0xF7A, s1;
	s8 =	simm.s32 @!p0 $0x1BF5;
	p2 =	por !p2, p0  }
0x20: {  	[sflag:s8] =	ssyncset.s32 @!p0 $0xFFFFF086;
	s6 =	sadd.s32 @!p0 s3, s7;
	s7 =	simm.s32 @!p0 $0x108  }
0x21: {  	s3 =	sadd.s32 s3, s9;
	s6 =	sadd.s32 @!p0 $0x88, s6;
	s7 =	simm.s32 @p2 $0x1082  }
0x22: {  	[simem:s7], [sflag:s8] =	dma.local @!p0 [hbm:s6], $0xF7A  }
0x23: {  	s9 =	sor.u32 $0xD0000000, s2;
	s6 =	simm.s32 $0x108;
	_ =	swait.ge @!p0 [sflag:s8], $0x0  }
0x24: {  	s3 =	sadd.s32 $0x88, s3;
	s6 =	simm.s32 @!p1 $0x1082;
	[sflag:s4] =	ssyncset.s32 $0xFFFFF086  }
0x25: {  	[simem:s6], [sflag:s4] =	dma.local [hbm:s3], $0xF7A  }
0x26: {  	[smem:$0x3F9C] =	sst s1;
	(tag) =	ssettag s2;
	_ =	strace s9  }
0x27: {  	s1 =	sld [smem:$0x3FAC]  }
0x28: {  	s2 =	sld [smem:$0x3FAD]  }
0x29: {  	s4 =	sld [smem:$0x3FAF]  }
0x2a: {  	p0 =	seq.s32 s5, $0x0;
	s5 =	sld [smem:$0x3FB0]  }
0x2b: {  	s6 =	sld [smem:$0x3FB1]  }
0x2c: {  	s7 =	sld [smem:$0x3FB2]  }
0x2d: {  	s3 =	simm.s32 $0x108;
	s8 =	sld [smem:$0x3FB3]  }
0x2e: {  	s3 =	simm.s32 @!p0 $0x1082;
	s9 =	sld [smem:$0x3FB4]  }
0x2f: {  	lr =	sadd.s32 s0, s3;
	s0 =	sld [smem:$0x3FAB]  }
0x30: {  	s3 =	sld [smem:$0x3FAE]  }
0x31: {  	[smem:$0x3FB7] =	sst s10  }
0x32: {  	s10 =	sld [smem:$0x3FB5];
	_ =	sdelay $0x3  }
0x33: {  	p0 =	seq.s32 s10, $0x1;
	s10 =	sld [smem:$0x3FB7];
	_ =	sdelay $0x3  }
0x34: {  	[smem:$0x3FB7] =	sst s10  }
0x35: {  	s10 =	sld [smem:$0x3FB6];
	_ =	sdelay $0x3  }
0x36: {  	p1 =	seq.s32 s10, $0x1;
	s10 =	sld [smem:$0x3FB7];
	_ =	sdelay $0x3  }
0x37: {  	[smem:$0x3FB7] =	sst s10  }
0x38: {  	s10 =	sld [smem:$0x3FB8]  }
0x39: {  	_ = 	snop;
	(pc) =	sbr.ind lr, $3  }
0x3a: {  	_ = 	snop  }
0x3b: {  	_ = 	snop  }
0x3c: {  	p2 =	seq.s32 s10, $0x1;
	s10 =	sld [smem:$0x3FB7]  }
0x3d: {  	_ =	shalt  }
0x3e: {  	_ =	shalt  }
0x3f: {  	_ =	shalt  }
0x40: {  	_ =	shalt  }
0x41: {  	_ =	shalt  }
0x42: {  	_ =	shalt  }
0x43: {  	_ =	shalt  }
0x44: {  	_ =	shalt  }
0x45: {  	_ =	shalt  }
0x46: {  	_ =	shalt  }
0x47: {  	_ =	shalt  }
0x48: {  	_ =	shalt  }
0x49: {  	_ =	shalt  }
0x4a: {  	_ =	shalt  }
0x4b: {  	_ =	shalt  }
0x4c: {  	_ =	shalt  }
0x4d: {  	_ =	shalt  }
0x4e: {  	_ =	shalt  }
0x4f: {  	_ =	shalt  }
0x50: {  	_ =	shalt  }
0x51: {  	_ =	shalt  }
0x52: {  	_ =	shalt  }
0x53: {  	_ =	shalt  }
0x54: {  	_ =	shalt  }
0x55: {  	_ =	shalt  }
0x56: {  	_ =	shalt  }
0x57: {  	_ =	shalt  }
0x58: {  	_ =	shalt  }
0x59: {  	_ =	shalt  }
0x5a: {  	_ =	shalt  }
0x5b: {  	_ =	shalt  }
0x5c: {  	_ =	shalt  }
0x5d: {  	_ =	shalt  }
0x5e: {  	_ =	shalt  }
0x5f: {  	_ =	shalt  }
0x60: {  	_ =	shalt  }
0x61: {  	_ =	shalt  }
0x62: {  	_ =	shalt  }
0x63: {  	_ =	shalt  }
0x64: {  	_ =	shalt  }
0x65: {  	_ =	shalt  }
0x66: {  	_ =	shalt  }
0x67: {  	_ =	shalt  }
0x68: {  	_ =	shalt  }
0x69: {  	_ =	shalt  }
0x6a: {  	_ =	shalt  }
0x6b: {  	_ =	shalt  }
0x6c: {  	_ =	shalt  }
0x6d: {  	_ =	shalt  }
0x6e: {  	_ =	shalt  }
0x6f: {  	_ =	shalt  }
0x70: {  	_ =	shalt  }
0x71: {  	_ =	shalt  }
0x72: {  	_ =	shalt  }
0x73: {  	_ =	shalt  }
0x74: {  	_ =	shalt  }
0x75: {  	_ =	shalt  }
0x76: {  	_ =	shalt  }
0x77: {  	_ =	shalt  }
0x78: {  	_ =	shalt  }
0x79: {  	_ =	shalt  }
0x7a: {  	_ =	shalt  }
0x7b: {  	_ =	shalt  }
0x7c: {  	_ =	shalt  }
0x7d: {  	_ =	shalt  }
0x7e: {  	_ =	shalt  }
0x7f: {  	_ =	shalt  }
0x80: {  	_ =	shalt  }
0x81: {  	_ =	shalt  }
0x82: {  	_ =	shalt  }
0x83: {  	_ =	shalt  }
0x84: {  	_ =	shalt  }
0x85: {  	_ =	shalt  }
0x86: {  	_ =	shalt  }
0x87: {  	_ =	shalt  }
.Lfunc_end0:
.L_simem_size_0:
called_computation.1_lowered:
.L_overlay_start_0:
0x88: {  	s2 =	sld [smem:$0x3FD9]  }
0x89: {  	s3 =	sld [smem:$0x3FFE];
	_ =	sdelay $0x1  }
0x8a: {  	s1 =	srdreg.scid  }
0x8b: {  	s0 =	sand.u32 $0x1, s1  }
0x8c: {  	s14 =	sshll.u32 s0, $0xA;
	s2 =	sadd.s32 s3, s2  }
0x8d: {  	s2 =	sadd.s32 s2, s14  }
0x8e: {  	[smem:$0x3FC3] =	sst s2  }
0x8f: {  	_ = 	snop  }
0x90: {  	s2 =	sld [smem:$0x3FD0];
	_ =	sdelay $0x2  }
0x91: {  	s4 =	simm.s32 $0xA;
	s5 =	simm.s32 $0x10;
	s15 =	sld [smem:$0x3FC6]  }
0x92: {  	[smem:s5], [sflag:s4] =	dma.local [hbm:s2], $0x1  }
0x93: {  	_ =	swait.eq [sflag:s4], $0x1  }
0x94: {  	[sflag:s4] =	ssyncset.done $0x0  }
0x95: {  	[sflag:s4] =	ssyncadd.s32 $0xFFFFFFFF  }
0x96: {  	s16 =	sld [smem:$0x10];
	(tm) =	ssettm $0x1  }
0x97: {  	s17 =	sld [smem:$0x3FFB];
	_ =	sdelay $0x3  }
0x98: {  	_ =	strace s17  }
0x99: {  	s4 =	sld [smem:$0x3FFC];
	_ =	sdelay $0x3  }
0x9a: {  	_ =	strace s4  }
0x9b: {  	s4 =	sld [smem:$0x3FFD];
	_ =	sdelay $0x3  }
0x9c: {  	_ =	strace s4  }
0x9d: {  	_ =	strace $0x8FFFFFFF  }
0x9e: {  	s18 =	sld [smem:$0x3FDB];
	_ =	sdelay $0x1  }
0x9f: {  	s19 =	simm.s32 $_scs_section_size  }
0xa0: {  	s6 =	simm.s32 $_size__tile_overlayer_lowered;
	s7 =	simm.s32 $_tile_overlayer_lowered  }
0xa1: {  	s22 =	simm.s32 $0x1BFF;
	s21 =	sshll.u32 s7, $0x1;
	s4 =	sadd.s32 s19, s18  }
0xa2: {  	s8 =	simm.s32 $0x0;
	s20 =	sshll.u32 s6, $0x1;
	s6 =	sadd.s32 s21, s4  }
0xa3: {  	[timem:s8], [sflag:s22] =	dma.local [hbm:s6], s20  }
0xa4: {  	_ =	swait.ge [sflag:s22], s20  }
0xa5: {  	s5 =	ssub.s32 $0x0, s20;
	[sflag:s22] =	ssyncset.done $0x0  }
0xa6: {  	[sflag:s22] =	ssyncadd.s32 s5;
	_ =	sdelay $0x1  }
0xa7: {  	s23 =	simm.s32 $0x1B8B  }
0xa8: {  	_ =	swait.ge [sflag:s23], $0x1  }
0xa9: {  	[sflag:s23] =	ssyncset.done $0x0  }
0xaa: {  	s25 =	simm.s32 $0x1B8E;
	s24 =	sld [smem:$0x3FFE];
	[sflag:s23] =	ssyncadd.s32 $0xFFFFFFFF  }
0xab: {  	s26 =	simm.s32 $execute0_lowered;
	[smem:$0x3FD2] =	sst s25  }
0xac: {  	s6 =	sshll.u32 s26, $0x1;
	_ =	strace $0x80000049;
	[dreg:$0x1] =	wrdreg $0xFFFFFFFF  }
0xad: {  	s28 =	simm.s32 $_size_execute0_lowered;
	s4 =	sadd.s32 s4, s6;
	[dreg:$0x0] =	wrdreg $0x0  }
0xae: {  	s6 =	sshll.u32 s28, $0x1;
	[dreg:$0x2] =	wrdreg s4  }
0xaf: {  	[dreg:$0x3] =	wrdreg s6  }
0xb0: {  	[dreg:$0x4] =	wrdreg $0xC0  }
0xb1: {  	_ =	task [dreg:s8], $0x5FFFF  }
0xb2: {  	[dreg:$0x1] =	wrdreg $0xFFFFFFFF  }
0xb3: {  	[dreg:$0x0] =	wrdreg $0x60  }
0xb4: {  	[dreg:$0x2] =	wrdreg s24  }
0xb5: {  	[dreg:$0x3] =	wrdreg s15  }
0xb6: {  	[dreg:$0x4] =	wrdreg s16  }
0xb7: {  	[dreg:$0x5] =	wrdreg $0x38400  }
0xb8: {  	[dreg:$0x6] =	wrdreg $0x9  }
0xb9: {  	_ =	task.clear_ibuf [dreg:s8], $0x7FFFF;
	_ =	strace $0x90000049  }
0xba: {  	s29 =	simm.s32 $0x9;
	_ =	strace $0x8000004B  }
0xbb: {  	_ =	swait.ge [sflag:s29], $0x1  }
0xbc: {  	[sflag:s29] =	ssyncadd.s32 $0xFFFFFFFF  }
0xbd: {  	_ =	strace $0x9000004B  }
0xbe: {  	_ =	sfence  }
0xbf: {  	s30 =	sld [smem:$0x0];
	_ =	sdelay $0x2  }
0xc0: {  	s31 =	sshll.u32 s1, $0xD;
	s1 =	sshrl.u32 s1, $0x2  }
0xc1: {  	s3 =	sand.u32 $0x4000, s31;
	s1 =	sadd.s32 s1, s30  }
0xc2: {  	s0 =	sor.u32 s3, s0;
	s1 =	sshll.u32 s1, $0x11  }
0xc3: {  	s0 =	sor.u32 s1, s0  }
0xc4: {  	s0 =	sadd.s32 $0x8F2B, s0  }
0xc5: {  	[sflag:s0] =	ssyncadd.remote.s32 $0x1  }
0xc6: {  	_ =	sfence.sel $0xFFFF  }
0xc7: {  	[dreg:$0x0] =	wrdreg $0xFFFFFFFF;
	(pc) =	sbr.abs _section_cstart, $3  }
0xc8: {  	[dreg:$0x1] =	wrdreg $0xFFFFFFFF  }
0xc9: {  	_ =	task.clear_ibuf [dreg:s8], $0x2FFFF;
	_ =	strace $0x9FFFFFFF  }
0xca: {  	(tm) =	ssettm $0x7FFFFFFF  }
0xcb: {  	_ =	shalt  }
tec
execute0_lowered:
.L_overlay_start_1:
0x0: {  	(tag) =	ssettag $0x1  }
0x1: {  	s8 =	rddreg [dreg:$0x0]  }
0x2: {  	s1 =	rddreg [dreg:$0x1]  }
0x3: {  	s9 =	rddreg [dreg:$0x2]  }
0x4: {  	s3 =	rddreg [dreg:$0x3]  }
0x5: {  	s0 =	rddreg [dreg:$0x4];
	s5 =	srdreg.scid  }
0x6: {  	s2 =	stileid.u32;
	s4 =	simm.s32 $0x0;
	s16 =	simm.s32 $0x320  }
0x7: {  	s17 =	simm.s32 $0x4B0;
	s18 =	simm.s32 $0x640;
	s19 =	simm.s32 $0x1  }
0x8: {  	s10 =	sand.u32 $0x1, s5;
	s11 =	smul.u32 $0x30E0, s2;
	[smem:$0x7FF] =	sst s4  }
0x9: {  	s5 =	sadd.s32 $0x31800, s8;
	s6 =	sadd.s32 $0xA00, s8;
	s7 =	sadd.s32 $0x62600, s8  }
0xa: {  	s14 =	sshll.u32 s2, $0x1;
	s15 =	smul.u32 $0x18700, s2;
	s30 =	sshll.u32 s2, $0x6  }
0xb: {  	s12 =	smul.u32 $0x30E00, s10;
	_ =	strace $0x8000004A;
	s26 =	ssub.s32 $0x2, s10  }
0xc: {  	s28 =	sor.u32 s10, s14;
	s10 =	sor.u32 $0x1C02, s30;
	s14 =	simm.s32 $0x2  }
0xd: {  	s13 =	sshrl.u32 s26, $0x1;
	s29 =	sshrl.u32 s15, $0x3;
	s31 =	sadd.s32 s15, s3  }
0xe: {  	s15 =	simm.s32 $0x190;
	s11 =	sadd.s32 s11, s12;
	s12 =	ssub.s32 s26, s13  }
0xf: {  	s9 =	sadd.s32 s9, s29;
	s13 =	sshrl.u32 s31, $0x3;
	s11 =	sadd.s32 s11, s8  }
0x10: {  	s8 =	smul.u32 $0xC350, s28;
	s12 =	smax.u32 s12, $0x1;
	s11 =	sadd.s32 $0x93400, s11  }
.LBB2_1:
0x11: {  	[spmem:s13], [sflag:s10] =	dma.local [hbm:s9], $0x30E0  }
0x12: {  	_ =	swait.ge [sflag:s14], $0x30E0  }
0x13: {  	[sflag:s14] =	ssyncset.done $0x0  }
0x14: {  	[sflag:s14] =	ssyncadd.s32 $0xFFFFCF20  }
0x15: {  	s20 =	simm.s32 $0x0;
	[bflag:$0x0] =	sbarrier.arrive $0xFFFF  }
.LBB2_2:
0x16: {  	s21 =	smul.u32 $0x190, s20;
	_ =	sdelay $0x1  }
0x17: {  	s21 =	sadd.s32 s8, s21  }
0x18: {  	s21 =	sshrl.u32 s21, $0x3  }
0x19: {  	s23 =	simm.s32 $0x0;
	s22 =	sadd.s32 s5, s21  }
0x1a: {  	[tilespmem:s23], [sflag:$0x2] =	stream.linear.gather [hbm4b:s22+s23], $0x190, $0x38;
	[tilespmem:$0x1BF40] =	vst v63  }
0x1b: {  	_ =	swait.ge [sflag:s14], $0x190  }
0x1c: {  	[sflag:s14] =	ssyncset.done $0x0  }
0x1d: {  	s31 =	sadd.s32 s6, s21;
	[sflag:s14] =	ssyncadd.s32 $0xFFFFFE70  }
0x1e: {  	[tilespmem:s15], [sflag:$0x2] =	stream.linear.gather [hbm4b:s31+s23], $0x190, $0x38;
	[tilespmem:$0x1BF40] =	vst v63  }
0x1f: {  	_ =	swait.ge [sflag:s14], $0x190  }
0x20: {  	[sflag:s14] =	ssyncset.done $0x0  }
0x21: {  	s21 =	sadd.s32 s1, s21;
	[sflag:s14] =	ssyncadd.s32 $0xFFFFFE70  }
0x22: {  	[tilespmem:s16], [sflag:$0x2] =	stream.linear.gather [hbm4b:s21+s23], $0x190, $0x38;
	[tilespmem:$0x1BF40] =	vst v63  }
0x23: {  	_ =	swait.ge [sflag:s14], $0x190  }
0x24: {  	[sflag:s14] =	ssyncset.done $0x0  }
0x25: {  	s21 =	simm.s32 $0x0;
	[sflag:s14] =	ssyncadd.s32 $0xFFFFFE70  }
0x26: {  	v0 =	vld [tilespmem:s21+$0x320]  }
0x27: {  	s22 =	simm.s32 $0x40;
	v1 =	vld [tilespmem:s21+$0x0]  }
.LBB2_3:
0x28: {  	p0 =	sne.s32 s22, $0x600  }
.Ltmp0:
0x29: {  	_ = 	snop;
	(pc) =	sbr.rel @p0 .LBB2_3-.Ltmp0, $4  }
0x2a: {  	_ = 	snop  }
0x2b: {  	s23 =	sshra.s32 s22, $0x2;
	s22 =	sadd.s32 $0x40, s22;
	vm0 =	veq.s32 v0, $0x2  }
0x2c: {  	v0 =	vld [tilespmem:s23+$0x320];
	v2 =	vnsel vm0, $0xC350, v1  }
0x2d: {  	v1 =	vld [tilespmem:s23+$0x0];
	[tilespmem:s21+$0x4B0] =	vst v2;
	s21 =	smov.u32 s23  }
0x2e: {  	_ =	sdelay $0x2  }
0x2f: {  	vm0 =	veq.s32 v0, $0x2  }
0x30: {  	v0 =	vnsel vm0, $0xC350, v1  }
0x31: {  	[tilespmem:s21+$0x4B0] =	vst v0  }
0x32: {  	[tilespmem:s18], [sflag:$0x1] =	stream.indirect.gather [hbm4b:s7+s15], $0x20, s17, s15, $0xb8;
	[tilespmem:$0x1BF40] =	vst v63  }
0x33: {  	s20 =	sadd.s32 $0x1, s20;
	_ =	swait.ge [sflag:s19], $0x3200  }
0x34: {  	p0 =	sne.s32 s20, $0x7D;
	[sflag:s19] =	ssyncset.done $0x0  }
.Ltmp1:
0x35: {  	[sflag:s19] =	ssyncadd.s32 $0xFFFFCE00;
	(pc) =	sbr.rel @p0 .LBB2_2-.Ltmp1, $4  }
0x36: {  	[spmem:s3] =	stream.indirect.scatter.add.f32 [tilespmem:s18], [sflag:$0x2], $0x20, s15, s15, $0xb8;
	[tilespmem:$0x1BF40] =	vst v63  }
0x37: {  	_ =	swait.ge [sflag:s14], $0x3200  }
0x38: {  	[sflag:s14] =	ssyncset.done $0x0  }
0x39: {  	[sflag:s14] =	ssyncadd.s32 $0xFFFFCE00  }
0x3a: {  	s4 =	sadd.s32 $0x1, s4  }
0x3b: {  	p0 =	sne.s32 s4, s12  }
.Ltmp2:
0x3c: {  	[bflag:$0x0] =	sbarrier.arrive $0xFFFF;
	(pc) =	sbr.rel @p0 .LBB2_1-.Ltmp2, $4  }
0x3d: {  	[hbm:s11], [sflag:s10] =	dma.local [spmem:s13], $0x30E0  }
0x3e: {  	_ =	swait.ge [sflag:s14], $0x30E0  }
0x3f: {  	[sflag:s14] =	ssyncset.done $0x0  }
0x40: {  	[sflag:s14] =	ssyncadd.s32 $0xFFFFCF20  }
0x41: {  	_ =	sfence.sel $0x180000  }
0x42: {  	[bflag:$0x0] =	sbarrier.arrive $0xFFFF  }
0x43: {  	p0 =	sne.s32 s2, $0x0;
	_ =	strace $0x9000004A  }
0x44: {  	s0 =	sadd.s32 @!p0 $0x100000, s0;
	[bflag:$0x2] =	sbarrier.arrive $0xFFFF  }
0x45: {  	[sflag:s0] =	ssyncadd.tile.s32 @!p0 $0x1;
	_ =	shalt  }
.Lfunc_end2:
_tile_overlayer_lowered:
.L_overlay_start_2:
0x46: {  	(tag) =	ssettag $0x2  }
0x47: {  	s0 =	rddreg [dreg:$0x0];
	s2 =	stileid.u32  }
0x48: {  	s1 =	rddreg [dreg:$0x1];
	p0 =	sne.s32 s2, $0x0  }
0x49: {  	s3 =	rddreg [dreg:$0x2];
	[bflag:$0x3] =	sbarrier.arrive $0xFFFF;
	s2 =	simm.s32 @!p0 $0x1C02  }
0x4a: {  	[timem:s3], [sflag:s2] =	dma.local @!p0 [hbm:s0], s1  }
0x4b: {  	s0 =	simm.s32 @!p0 $0x2  }
0x4c: {  	_ =	swait.ge @!p0 [sflag:s0], s1  }
0x4d: {  	s1 =	ssub.s32 @!p0 $0x0, s1;
	[sflag:s0] =	ssyncset.done @!p0 $0x0  }
0x4e: {  	[sflag:s0] =	ssyncadd.s32 @!p0 s1  }
0x4f: {  	[bflag:$0x3] =	sbarrier.arrive $0xFFFF  }
0x50: {  	_ =	shalt  }

</sc_bundles>
